<compile_context>
chip_gen: v7x
topology: tpu7x:2x2x1
jax: 0.10.2.dev20260603
libtpu: 0.0.44.dev20260713+nightly
codegen_flags: <defaults>
</compile_context>

<pallas_src>
import functools
import jax
import jax.numpy as jnp
from jax import lax
from jax.experimental import pallas as pl
from jax.experimental.pallas import tpu as pltpu
from jax.experimental.pallas import tpu_sc as plsc

_B, _P, _D = 4096, 100, 128
_NC, _NS, _L = 2, 16, 16
_NW = _NC * _NS
_ROWS = _B // _NW
_NSLOT = 5
_VPR = _D // _L


def _sc_body(feat_hbm, pe_hbm, out_hbm, pe_v, b0, b1, b2, b3, b4,
             si0, si1, si2, si3, si4, so0, so1, so2, so3, so4):
    bufs = (b0, b1, b2, b3, b4)
    sin = (si0, si1, si2, si3, si4)
    sout = (so0, so1, so2, so3, so4)
    wid = lax.axis_index("s") * _NC + lax.axis_index("c")
    base = wid * _ROWS

    pltpu.sync_copy(pe_hbm, pe_v)

    def fetch(p, s):
        pltpu.async_copy(feat_hbm.at[p, pl.ds(base, _ROWS)], bufs[s], sin[s])

    def fetch_wait(s):
        pltpu.make_async_copy(feat_hbm.at[0, pl.ds(base, _ROWS)], bufs[s], sin[s]).wait()

    def flush(p, s):
        pltpu.async_copy(bufs[s], out_hbm.at[p, pl.ds(base, _ROWS)], sout[s])

    def flush_wait(s):
        pltpu.make_async_copy(bufs[s], out_hbm.at[0, pl.ds(base, _ROWS)], sout[s]).wait()

    fetch(0, 0)
    fetch(1, 1)
    fetch(2, 2)

    def outer(c4, _):
        p0 = c4 * _NSLOT
        for b in range(_NSLOT):
            p = p0 + b
            sf = (b + 3) % _NSLOT

            @pl.when(p >= 2)
            def _(sf=sf):
                flush_wait(sf)

            @pl.when(p + 3 < _P)
            def _(p=p, sf=sf):
                fetch(p + 3, sf)

            pevs = [pe_v[p, pl.ds(l * _L, _L)] for l in range(_VPR)]
            fetch_wait(b)
            buf = bufs[b]

            @plsc.parallel_loop(0, _ROWS, 1, unroll=4)
            def _(r, _buf=buf, _pevs=pevs):
                for l in range(_VPR):
                    plsc.addupdate(_buf.at[r, pl.ds(l * _L, _L)], _pevs[l])

            flush(p, b)
        return ()

    lax.fori_loop(0, _P // _NSLOT, outer, ())
    flush_wait(3)
    flush_wait(4)


def kernel(feat_tokens, pos_emb):
    feat_t = jnp.transpose(feat_tokens, (1, 0, 2))
    mesh = plsc.VectorSubcoreMesh(core_axis_name="c", subcore_axis_name="s")
    run = functools.partial(
        pl.kernel,
        mesh=mesh,
        out_type=jax.ShapeDtypeStruct((_P, _B, _D), jnp.float32),
        scratch_types=(
            [pltpu.VMEM((_P, _D), jnp.float32)]
            + [pltpu.VMEM((_ROWS, _D), jnp.float32) for _ in range(_NSLOT)]
            + [pltpu.SemaphoreType.DMA for _ in range(2 * _NSLOT)]
        ),
    )(_sc_body)
    out_t = run(feat_t, pos_emb)
    return jnp.transpose(out_t, (1, 0, 2))

# --- scband reference (transcript-rebuilt; emitter-appended) ---
"""Pipeline reference for scband-feature-position-encoding-75900662055089 (READ-ONLY COPY).

The authoritative reference and input builder live on the scoring server;
editing this copy changes nothing except your own understanding.
"""

import jax, jax.numpy as jnp
import numpy as np

NUM_FEAT_TOKENS = 100
D_MODEL = 128
BATCH = 4096


def setup_inputs(seed: int = 0) -> dict:
    key = jax.random.key(seed)
    k1, k2 = jax.random.split(key)
    feat_tokens = jax.random.normal(k1, (BATCH, NUM_FEAT_TOKENS, D_MODEL), dtype=jnp.float32)
    # learned positional embedding table, init std=0.02 like the torch module
    pos_emb = jax.random.normal(k2, (NUM_FEAT_TOKENS, D_MODEL), dtype=jnp.float32) * 0.02
    return {"feat_tokens": feat_tokens, "pos_emb": pos_emb}


def reference(feat_tokens, pos_emb):
    # feat_pos_mode == 'learnable':
    # positions = arange(num_feat_tokens); out = feat_tokens + pos_emb(positions)[None]
    positions = jnp.arange(NUM_FEAT_TOKENS)
    pe = jnp.take(pos_emb, positions, axis=0)  # (num_feat_tokens, d_model)
    return feat_tokens + pe[None, :, :]

if __name__ == "__main__":
    import jax
    _d = setup_inputs()
    print(jax.jit(kernel)(*tuple(_d.values())))

</pallas_src>

<mosaic_0001>
#map = affine_map<(d0, d1) -> (0, 0, 0)>
#map1 = affine_map<(d0, d1) -> (0, 0)>
module attributes {stable_mosaic.version = 14 : i64} {
  func.func @_sc_body(%arg0: i32, %arg1: i32, %arg2: memref<100x4096x128xf32, #tpu.memory_space<hbm>>, %arg3: memref<100x128xf32, #tpu.memory_space<hbm>>, %arg4: memref<100x4096x128xf32, #tpu.memory_space<hbm>>, %arg5: memref<100x128xf32, #tpu.memory_space<vmem>>, %arg6: memref<128x128xf32, #tpu.memory_space<vmem>>, %arg7: memref<128x128xf32, #tpu.memory_space<vmem>>, %arg8: memref<128x128xf32, #tpu.memory_space<vmem>>, %arg9: memref<128x128xf32, #tpu.memory_space<vmem>>, %arg10: memref<128x128xf32, #tpu.memory_space<vmem>>, %arg11: memref<!tpu.dma_semaphore, #tpu.memory_space<semaphore_mem>>, %arg12: memref<!tpu.dma_semaphore, #tpu.memory_space<semaphore_mem>>, %arg13: memref<!tpu.dma_semaphore, #tpu.memory_space<semaphore_mem>>, %arg14: memref<!tpu.dma_semaphore, #tpu.memory_space<semaphore_mem>>, %arg15: memref<!tpu.dma_semaphore, #tpu.memory_space<semaphore_mem>>, %arg16: memref<!tpu.dma_semaphore, #tpu.memory_space<semaphore_mem>>, %arg17: memref<!tpu.dma_semaphore, #tpu.memory_space<semaphore_mem>>, %arg18: memref<!tpu.dma_semaphore, #tpu.memory_space<semaphore_mem>>, %arg19: memref<!tpu.dma_semaphore, #tpu.memory_space<semaphore_mem>>, %arg20: memref<!tpu.dma_semaphore, #tpu.memory_space<semaphore_mem>>) attributes {dimension_semantics = [#tpu.dimension_semantics<core_parallel>, #tpu.dimension_semantics<subcore_parallel>], iteration_bounds = array<i64: 2, 16>, scalar_prefetch = 0 : i64, scratch_operands = 16 : i64, tpu.core_type = #tpu.core_type<sc_vector_subcore>, window_params = [{transform_indices = #map}, {transform_indices = #map1}, {transform_indices = #map}]} {
    %mul3A = arith.constant 2 : i32
    %mul3A_0 = arith.muli %arg1, %mul3A : i32
    %add3A = arith.addi %mul3A_0, %arg0 : i32
    %mul3A_1 = arith.constant 128 : i32
    %mul3A_2 = arith.muli %add3A, %mul3A_1 : i32
    "tpu.region"() ({
      %run_scoped3A = tpu.sem_alloc : memref<!tpu.dma_semaphore, #tpu.memory_space<semaphore_mem>>
      tpu.enqueue_dma source(%arg3 : memref<100x128xf32, #tpu.memory_space<hbm>>) target(%arg5 : memref<100x128xf32, #tpu.memory_space<vmem>>) target_semaphore(%run_scoped3A : memref<!tpu.dma_semaphore, #tpu.memory_space<semaphore_mem>>)
      tpu.wait_dma2 semaphore(%run_scoped3A : memref<!tpu.dma_semaphore, #tpu.memory_space<semaphore_mem>>) src(%arg3 : memref<100x128xf32, #tpu.memory_space<hbm>>) dst(%arg5 : memref<100x128xf32, #tpu.memory_space<vmem>>)
      tpu.yield
    }) : () -> ()
    %dma_start3A = arith.constant 0 : i32
    %dma_start3A_3 = arith.constant 0 : i32
    %dma_start3A_4 = tpu.memref_slice %arg2[%dma_start3A, %mul3A_2, %dma_start3A_3] : memref<100x4096x128xf32, #tpu.memory_space<hbm>> -> memref<1x128x128xf32, #tpu.memory_space<hbm>>
    %dma_start3A_5 = tpu.memref_squeeze %dma_start3A_4 : memref<1x128x128xf32, #tpu.memory_space<hbm>> -> memref<128x128xf32, #tpu.memory_space<hbm>>
    %dma_start3A_6 = arith.constant 0 : i32
    %dma_start3A_7 = tpu.memref_slice %arg2[%dma_start3A, %mul3A_2, %dma_start3A_6] : memref<100x4096x128xf32, #tpu.memory_space<hbm>> -> memref<1x128x128xf32, #tpu.memory_space<hbm>>
    %dma_start3A_8 = tpu.memref_squeeze %dma_start3A_7 : memref<1x128x128xf32, #tpu.memory_space<hbm>> -> memref<128x128xf32, #tpu.memory_space<hbm>>
    tpu.enqueue_dma source(%dma_start3A_8 : memref<128x128xf32, #tpu.memory_space<hbm>>) target(%arg6 : memref<128x128xf32, #tpu.memory_space<vmem>>) target_semaphore(%arg11 : memref<!tpu.dma_semaphore, #tpu.memory_space<semaphore_mem>>)
    %dma_start3A_9 = arith.constant 1 : i32
    %dma_start3A_10 = arith.constant 0 : i32
    %dma_start3A_11 = tpu.memref_slice %arg2[%dma_start3A_9, %mul3A_2, %dma_start3A_10] : memref<100x4096x128xf32, #tpu.memory_space<hbm>> -> memref<1x128x128xf32, #tpu.memory_space<hbm>>
    %dma_start3A_12 = tpu.memref_squeeze %dma_start3A_11 : memref<1x128x128xf32, #tpu.memory_space<hbm>> -> memref<128x128xf32, #tpu.memory_space<hbm>>
    %dma_start3A_13 = arith.constant 0 : i32
    %dma_start3A_14 = tpu.memref_slice %arg2[%dma_start3A_9, %mul3A_2, %dma_start3A_13] : memref<100x4096x128xf32, #tpu.memory_space<hbm>> -> memref<1x128x128xf32, #tpu.memory_space<hbm>>
    %dma_start3A_15 = tpu.memref_squeeze %dma_start3A_14 : memref<1x128x128xf32, #tpu.memory_space<hbm>> -> memref<128x128xf32, #tpu.memory_space<hbm>>
    tpu.enqueue_dma source(%dma_start3A_15 : memref<128x128xf32, #tpu.memory_space<hbm>>) target(%arg7 : memref<128x128xf32, #tpu.memory_space<vmem>>) target_semaphore(%arg12 : memref<!tpu.dma_semaphore, #tpu.memory_space<semaphore_mem>>)
    %dma_start3A_16 = arith.constant 2 : i32
    %dma_start3A_17 = arith.constant 0 : i32
    %dma_start3A_18 = tpu.memref_slice %arg2[%dma_start3A_16, %mul3A_2, %dma_start3A_17] : memref<100x4096x128xf32, #tpu.memory_space<hbm>> -> memref<1x128x128xf32, #tpu.memory_space<hbm>>
    %dma_start3A_19 = tpu.memref_squeeze %dma_start3A_18 : memref<1x128x128xf32, #tpu.memory_space<hbm>> -> memref<128x128xf32, #tpu.memory_space<hbm>>
    %dma_start3A_20 = arith.constant 0 : i32
    %dma_start3A_21 = tpu.memref_slice %arg2[%dma_start3A_16, %mul3A_2, %dma_start3A_20] : memref<100x4096x128xf32, #tpu.memory_space<hbm>> -> memref<1x128x128xf32, #tpu.memory_space<hbm>>
    %dma_start3A_22 = tpu.memref_squeeze %dma_start3A_21 : memref<1x128x128xf32, #tpu.memory_space<hbm>> -> memref<128x128xf32, #tpu.memory_space<hbm>>
    tpu.enqueue_dma source(%dma_start3A_22 : memref<128x128xf32, #tpu.memory_space<hbm>>) target(%arg8 : memref<128x128xf32, #tpu.memory_space<vmem>>) target_semaphore(%arg13 : memref<!tpu.dma_semaphore, #tpu.memory_space<semaphore_mem>>)
    %scan3A = arith.constant 0 : i32
    %scan3A_23 = arith.constant 20 : i32
    %scan3A_24 = arith.addi %scan3A, %scan3A_23 : i32
    %scan3A_25 = arith.constant 1 : i32
    scf.for %scan3A_40 = %scan3A to %scan3A_24 step %scan3A_25  : i32 {
      %mul3A_41 = arith.constant 5 : i32
      %mul3A_42 = arith.muli %scan3A_40, %mul3A_41 : i32
      %add3A_43 = arith.constant 0 : i32
      %add3A_44 = arith.addi %mul3A_42, %add3A_43 : i32
      %ge3A = arith.constant 2 : i32
      %ge3A_45 = arith.cmpi sge, %add3A_44, %ge3A : i32
      %convert_element_type3A = arith.extui %ge3A_45 : i1 to i32
      %cond3A = arith.constant 0 : i32
      %cond3A_46 = arith.cmpi ne, %convert_element_type3A, %cond3A : i32
      scf.if %cond3A_46 {
        %dma_wait3A_347 = arith.constant 0 : i32
        %dma_wait3A_348 = arith.constant 0 : i32
        %dma_wait3A_349 = tpu.memref_slice %arg4[%dma_wait3A_347, %mul3A_2, %dma_wait3A_348] : memref<100x4096x128xf32, #tpu.memory_space<hbm>> -> memref<1x128x128xf32, #tpu.memory_space<hbm>>
        %dma_wait3A_350 = tpu.memref_squeeze %dma_wait3A_349 : memref<1x128x128xf32, #tpu.memory_space<hbm>> -> memref<128x128xf32, #tpu.memory_space<hbm>>
        %dma_wait3A_351 = arith.constant 0 : i32
        %dma_wait3A_352 = tpu.memref_slice %arg4[%dma_wait3A_347, %mul3A_2, %dma_wait3A_351] : memref<100x4096x128xf32, #tpu.memory_space<hbm>> -> memref<1x128x128xf32, #tpu.memory_space<hbm>>
        %dma_wait3A_353 = tpu.memref_squeeze %dma_wait3A_352 : memref<1x128x128xf32, #tpu.memory_space<hbm>> -> memref<128x128xf32, #tpu.memory_space<hbm>>
        tpu.wait_dma2 semaphore(%arg19 : memref<!tpu.dma_semaphore, #tpu.memory_space<semaphore_mem>>) src(%arg9 : memref<128x128xf32, #tpu.memory_space<vmem>>) dst(%dma_wait3A_353 : memref<128x128xf32, #tpu.memory_space<hbm>>)
      } else {
      }
      %add3A_47 = arith.constant 3 : i32
      %add3A_48 = arith.addi %add3A_44, %add3A_47 : i32
      %lt3A = arith.constant 100 : i32
      %lt3A_49 = arith.cmpi slt, %add3A_48, %lt3A : i32
      %convert_element_type3A_50 = arith.extui %lt3A_49 : i1 to i32
      %cond3A_51 = arith.constant 0 : i32
      %cond3A_52 = arith.cmpi ne, %convert_element_type3A_50, %cond3A_51 : i32
      scf.if %cond3A_52 {
        %add3A_347 = arith.constant 3 : i32
        %add3A_348 = arith.addi %add3A_44, %add3A_347 : i32
        %dma_start3A_349 = arith.constant 0 : i32
        %dma_start3A_350 = tpu.memref_slice %arg2[%add3A_348, %mul3A_2, %dma_start3A_349] : memref<100x4096x128xf32, #tpu.memory_space<hbm>> -> memref<1x128x128xf32, #tpu.memory_space<hbm>>
        %dma_start3A_351 = tpu.memref_squeeze %dma_start3A_350 : memref<1x128x128xf32, #tpu.memory_space<hbm>> -> memref<128x128xf32, #tpu.memory_space<hbm>>
        %dma_start3A_352 = arith.constant 0 : i32
        %dma_start3A_353 = tpu.memref_slice %arg2[%add3A_348, %mul3A_2, %dma_start3A_352] : memref<100x4096x128xf32, #tpu.memory_space<hbm>> -> memref<1x128x128xf32, #tpu.memory_space<hbm>>
        %dma_start3A_354 = tpu.memref_squeeze %dma_start3A_353 : memref<1x128x128xf32, #tpu.memory_space<hbm>> -> memref<128x128xf32, #tpu.memory_space<hbm>>
        tpu.enqueue_dma source(%dma_start3A_354 : memref<128x128xf32, #tpu.memory_space<hbm>>) target(%arg9 : memref<128x128xf32, #tpu.memory_space<vmem>>) target_semaphore(%arg14 : memref<!tpu.dma_semaphore, #tpu.memory_space<semaphore_mem>>)
      } else {
      }
      %get3A = arith.index_cast %add3A_44 : i32 to index
      %get3A_53 = arith.constant 0 : index
      %get3A_54 = tpu.vector_load %arg5[%get3A, %get3A_53] {strides = array<i32>} : memref<100x128xf32, #tpu.memory_space<vmem>>, vector<1x16xf32>,
      %get3A_55 = vector.shape_cast %get3A_54 : vector<1x16xf32> to vector<16xf32>
      %get3A_56 = arith.index_cast %add3A_44 : i32 to index
      %get3A_57 = arith.constant 16 : index
      %get3A_58 = tpu.vector_load %arg5[%get3A_56, %get3A_57] {strides = array<i32>} : memref<100x128xf32, #tpu.memory_space<vmem>>, vector<1x16xf32>,
      %get3A_59 = vector.shape_cast %get3A_58 : vector<1x16xf32> to vector<16xf32>
      %get3A_60 = arith.index_cast %add3A_44 : i32 to index
      %get3A_61 = arith.constant 32 : index
      %get3A_62 = tpu.vector_load %arg5[%get3A_60, %get3A_61] {strides = array<i32>} : memref<100x128xf32, #tpu.memory_space<vmem>>, vector<1x16xf32>,
      %get3A_63 = vector.shape_cast %get3A_62 : vector<1x16xf32> to vector<16xf32>
      %get3A_64 = arith.index_cast %add3A_44 : i32 to index
      %get3A_65 = arith.constant 48 : index
      %get3A_66 = tpu.vector_load %arg5[%get3A_64, %get3A_65] {strides = array<i32>} : memref<100x128xf32, #tpu.memory_space<vmem>>, vector<1x16xf32>,
      %get3A_67 = vector.shape_cast %get3A_66 : vector<1x16xf32> to vector<16xf32>
      %get3A_68 = arith.index_cast %add3A_44 : i32 to index
      %get3A_69 = arith.constant 64 : index
      %get3A_70 = tpu.vector_load %arg5[%get3A_68, %get3A_69] {strides = array<i32>} : memref<100x128xf32, #tpu.memory_space<vmem>>, vector<1x16xf32>,
      %get3A_71 = vector.shape_cast %get3A_70 : vector<1x16xf32> to vector<16xf32>
      %get3A_72 = arith.index_cast %add3A_44 : i32 to index
      %get3A_73 = arith.constant 80 : index
      %get3A_74 = tpu.vector_load %arg5[%get3A_72, %get3A_73] {strides = array<i32>} : memref<100x128xf32, #tpu.memory_space<vmem>>, vector<1x16xf32>,
      %get3A_75 = vector.shape_cast %get3A_74 : vector<1x16xf32> to vector<16xf32>
      %get3A_76 = arith.index_cast %add3A_44 : i32 to index
      %get3A_77 = arith.constant 96 : index
      %get3A_78 = tpu.vector_load %arg5[%get3A_76, %get3A_77] {strides = array<i32>} : memref<100x128xf32, #tpu.memory_space<vmem>>, vector<1x16xf32>,
      %get3A_79 = vector.shape_cast %get3A_78 : vector<1x16xf32> to vector<16xf32>
      %get3A_80 = arith.index_cast %add3A_44 : i32 to index
      %get3A_81 = arith.constant 112 : index
      %get3A_82 = tpu.vector_load %arg5[%get3A_80, %get3A_81] {strides = array<i32>} : memref<100x128xf32, #tpu.memory_space<vmem>>, vector<1x16xf32>,
      %get3A_83 = vector.shape_cast %get3A_82 : vector<1x16xf32> to vector<16xf32>
      %dma_wait3A_84 = arith.constant 0 : i32
      %dma_wait3A_85 = arith.constant 0 : i32
      %dma_wait3A_86 = tpu.memref_slice %arg2[%dma_wait3A_84, %mul3A_2, %dma_wait3A_85] : memref<100x4096x128xf32, #tpu.memory_space<hbm>> -> memref<1x128x128xf32, #tpu.memory_space<hbm>>
      %dma_wait3A_87 = tpu.memref_squeeze %dma_wait3A_86 : memref<1x128x128xf32, #tpu.memory_space<hbm>> -> memref<128x128xf32, #tpu.memory_space<hbm>>
      %dma_wait3A_88 = arith.constant 0 : i32
      %dma_wait3A_89 = tpu.memref_slice %arg2[%dma_wait3A_84, %mul3A_2, %dma_wait3A_88] : memref<100x4096x128xf32, #tpu.memory_space<hbm>> -> memref<1x128x128xf32, #tpu.memory_space<hbm>>
      %dma_wait3A_90 = tpu.memref_squeeze %dma_wait3A_89 : memref<1x128x128xf32, #tpu.memory_space<hbm>> -> memref<128x128xf32, #tpu.memory_space<hbm>>
      tpu.wait_dma2 semaphore(%arg11 : memref<!tpu.dma_semaphore, #tpu.memory_space<semaphore_mem>>) src(%dma_wait3A_90 : memref<128x128xf32, #tpu.memory_space<hbm>>) dst(%arg6 : memref<128x128xf32, #tpu.memory_space<vmem>>)
      %parallel_loop3A = arith.constant 0 : i32
      %parallel_loop3A_91 = arith.constant 128 : i32
      %parallel_loop3A_92 = arith.constant 1 : i32
      scf.for %parallel_loop3A_347 = %parallel_loop3A to %parallel_loop3A_91 step %parallel_loop3A_92  : i32 {
        %parallel_loop3A_348 = arith.index_cast %parallel_loop3A_347 : i32 to index
        %parallel_loop3A_349 = arith.constant 0 : index
        %parallel_loop3A_350 = tpu.vector_load %arg6[%parallel_loop3A_348, %parallel_loop3A_349] {strides = array<i32>} : memref<128x128xf32, #tpu.memory_space<vmem>>, vector<1x16xf32>,
        %parallel_loop3A_351 = vector.shape_cast %parallel_loop3A_350 : vector<1x16xf32> to vector<16xf32>
        %parallel_loop3A_352 = vector.shape_cast %get3A_55 : vector<16xf32> to vector<1x16xf32>
        tpu.vector_store %arg6[%parallel_loop3A_348, %parallel_loop3A_349], %parallel_loop3A_352 {add = true, strides = array<i32>} : memref<128x128xf32, #tpu.memory_space<vmem>>, vector<1x16xf32>,
        %parallel_loop3A_353 = arith.index_cast %parallel_loop3A_347 : i32 to index
        %parallel_loop3A_354 = arith.constant 16 : index
        %parallel_loop3A_355 = tpu.vector_load %arg6[%parallel_loop3A_353, %parallel_loop3A_354] {strides = array<i32>} : memref<128x128xf32, #tpu.memory_space<vmem>>, vector<1x16xf32>,
        %parallel_loop3A_356 = vector.shape_cast %parallel_loop3A_355 : vector<1x16xf32> to vector<16xf32>
        %parallel_loop3A_357 = vector.shape_cast %get3A_59 : vector<16xf32> to vector<1x16xf32>
        tpu.vector_store %arg6[%parallel_loop3A_353, %parallel_loop3A_354], %parallel_loop3A_357 {add = true, strides = array<i32>} : memref<128x128xf32, #tpu.memory_space<vmem>>, vector<1x16xf32>,
        %parallel_loop3A_358 = arith.index_cast %parallel_loop3A_347 : i32 to index
        %parallel_loop3A_359 = arith.constant 32 : index
        %parallel_loop3A_360 = tpu.vector_load %arg6[%parallel_loop3A_358, %parallel_loop3A_359] {strides = array<i32>} : memref<128x128xf32, #tpu.memory_space<vmem>>, vector<1x16xf32>,
        %parallel_loop3A_361 = vector.shape_cast %parallel_loop3A_360 : vector<1x16xf32> to vector<16xf32>
        %parallel_loop3A_362 = vector.shape_cast %get3A_63 : vector<16xf32> to vector<1x16xf32>
        tpu.vector_store %arg6[%parallel_loop3A_358, %parallel_loop3A_359], %parallel_loop3A_362 {add = true, strides = array<i32>} : memref<128x128xf32, #tpu.memory_space<vmem>>, vector<1x16xf32>,
        %parallel_loop3A_363 = arith.index_cast %parallel_loop3A_347 : i32 to index
        %parallel_loop3A_364 = arith.constant 48 : index
        %parallel_loop3A_365 = tpu.vector_load %arg6[%parallel_loop3A_363, %parallel_loop3A_364] {strides = array<i32>} : memref<128x128xf32, #tpu.memory_space<vmem>>, vector<1x16xf32>,
        %parallel_loop3A_366 = vector.shape_cast %parallel_loop3A_365 : vector<1x16xf32> to vector<16xf32>
        %parallel_loop3A_367 = vector.shape_cast %get3A_67 : vector<16xf32> to vector<1x16xf32>
        tpu.vector_store %arg6[%parallel_loop3A_363, %parallel_loop3A_364], %parallel_loop3A_367 {add = true, strides = array<i32>} : memref<128x128xf32, #tpu.memory_space<vmem>>, vector<1x16xf32>,
        %parallel_loop3A_368 = arith.index_cast %parallel_loop3A_347 : i32 to index
        %parallel_loop3A_369 = arith.constant 64 : index
        %parallel_loop3A_370 = tpu.vector_load %arg6[%parallel_loop3A_368, %parallel_loop3A_369] {strides = array<i32>} : memref<128x128xf32, #tpu.memory_space<vmem>>, vector<1x16xf32>,
        %parallel_loop3A_371 = vector.shape_cast %parallel_loop3A_370 : vector<1x16xf32> to vector<16xf32>
        %parallel_loop3A_372 = vector.shape_cast %get3A_71 : vector<16xf32> to vector<1x16xf32>
        tpu.vector_store %arg6[%parallel_loop3A_368, %parallel_loop3A_369], %parallel_loop3A_372 {add = true, strides = array<i32>} : memref<128x128xf32, #tpu.memory_space<vmem>>, vector<1x16xf32>,
        %parallel_loop3A_373 = arith.index_cast %parallel_loop3A_347 : i32 to index
        %parallel_loop3A_374 = arith.constant 80 : index
        %parallel_loop3A_375 = tpu.vector_load %arg6[%parallel_loop3A_373, %parallel_loop3A_374] {strides = array<i32>} : memref<128x128xf32, #tpu.memory_space<vmem>>, vector<1x16xf32>,
        %parallel_loop3A_376 = vector.shape_cast %parallel_loop3A_375 : vector<1x16xf32> to vector<16xf32>
        %parallel_loop3A_377 = vector.shape_cast %get3A_75 : vector<16xf32> to vector<1x16xf32>
        tpu.vector_store %arg6[%parallel_loop3A_373, %parallel_loop3A_374], %parallel_loop3A_377 {add = true, strides = array<i32>} : memref<128x128xf32, #tpu.memory_space<vmem>>, vector<1x16xf32>,
        %parallel_loop3A_378 = arith.index_cast %parallel_loop3A_347 : i32 to index
        %parallel_loop3A_379 = arith.constant 96 : index
        %parallel_loop3A_380 = tpu.vector_load %arg6[%parallel_loop3A_378, %parallel_loop3A_379] {strides = array<i32>} : memref<128x128xf32, #tpu.memory_space<vmem>>, vector<1x16xf32>,
        %parallel_loop3A_381 = vector.shape_cast %parallel_loop3A_380 : vector<1x16xf32> to vector<16xf32>
        %parallel_loop3A_382 = vector.shape_cast %get3A_79 : vector<16xf32> to vector<1x16xf32>
        tpu.vector_store %arg6[%parallel_loop3A_378, %parallel_loop3A_379], %parallel_loop3A_382 {add = true, strides = array<i32>} : memref<128x128xf32, #tpu.memory_space<vmem>>, vector<1x16xf32>,
        %parallel_loop3A_383 = arith.index_cast %parallel_loop3A_347 : i32 to index
        %parallel_loop3A_384 = arith.constant 112 : index
        %parallel_loop3A_385 = tpu.vector_load %arg6[%parallel_loop3A_383, %parallel_loop3A_384] {strides = array<i32>} : memref<128x128xf32, #tpu.memory_space<vmem>>, vector<1x16xf32>,
        %parallel_loop3A_386 = vector.shape_cast %parallel_loop3A_385 : vector<1x16xf32> to vector<16xf32>
        %parallel_loop3A_387 = vector.shape_cast %get3A_83 : vector<16xf32> to vector<1x16xf32>
        tpu.vector_store %arg6[%parallel_loop3A_383, %parallel_loop3A_384], %parallel_loop3A_387 {add = true, strides = array<i32>} : memref<128x128xf32, #tpu.memory_space<vmem>>, vector<1x16xf32>,
      } {sc.loop_unroll_factor = 4 : i64, sc.parallel_access}
      %dma_start3A_93 = arith.constant 0 : i32
      %dma_start3A_94 = tpu.memref_slice %arg4[%add3A_44, %mul3A_2, %dma_start3A_93] : memref<100x4096x128xf32, #tpu.memory_space<hbm>> -> memref<1x128x128xf32, #tpu.memory_space<hbm>>
      %dma_start3A_95 = tpu.memref_squeeze %dma_start3A_94 : memref<1x128x128xf32, #tpu.memory_space<hbm>> -> memref<128x128xf32, #tpu.memory_space<hbm>>
      %dma_start3A_96 = arith.constant 0 : i32
      %dma_start3A_97 = tpu.memref_slice %arg4[%add3A_44, %mul3A_2, %dma_start3A_96] : memref<100x4096x128xf32, #tpu.memory_space<hbm>> -> memref<1x128x128xf32, #tpu.memory_space<hbm>>
      %dma_start3A_98 = tpu.memref_squeeze %dma_start3A_97 : memref<1x128x128xf32, #tpu.memory_space<hbm>> -> memref<128x128xf32, #tpu.memory_space<hbm>>
      tpu.enqueue_dma source(%arg6 : memref<128x128xf32, #tpu.memory_space<vmem>>) target(%dma_start3A_98 : memref<128x128xf32, #tpu.memory_space<hbm>>) target_semaphore(%arg16 : memref<!tpu.dma_semaphore, #tpu.memory_space<semaphore_mem>>)
      %add3A_99 = arith.constant 1 : i32
      %add3A_100 = arith.addi %mul3A_42, %add3A_99 : i32
      %ge3A_101 = arith.constant 2 : i32
      %ge3A_102 = arith.cmpi sge, %add3A_100, %ge3A_101 : i32
      %convert_element_type3A_103 = arith.extui %ge3A_102 : i1 to i32
      %cond3A_104 = arith.constant 0 : i32
      %cond3A_105 = arith.cmpi ne, %convert_element_type3A_103, %cond3A_104 : i32
      scf.if %cond3A_105 {
        %dma_wait3A_347 = arith.constant 0 : i32
        %dma_wait3A_348 = arith.constant 0 : i32
        %dma_wait3A_349 = tpu.memref_slice %arg4[%dma_wait3A_347, %mul3A_2, %dma_wait3A_348] : memref<100x4096x128xf32, #tpu.memory_space<hbm>> -> memref<1x128x128xf32, #tpu.memory_space<hbm>>
        %dma_wait3A_350 = tpu.memref_squeeze %dma_wait3A_349 : memref<1x128x128xf32, #tpu.memory_space<hbm>> -> memref<128x128xf32, #tpu.memory_space<hbm>>
        %dma_wait3A_351 = arith.constant 0 : i32
        %dma_wait3A_352 = tpu.memref_slice %arg4[%dma_wait3A_347, %mul3A_2, %dma_wait3A_351] : memref<100x4096x128xf32, #tpu.memory_space<hbm>> -> memref<1x128x128xf32, #tpu.memory_space<hbm>>
        %dma_wait3A_353 = tpu.memref_squeeze %dma_wait3A_352 : memref<1x128x128xf32, #tpu.memory_space<hbm>> -> memref<128x128xf32, #tpu.memory_space<hbm>>
        tpu.wait_dma2 semaphore(%arg20 : memref<!tpu.dma_semaphore, #tpu.memory_space<semaphore_mem>>) src(%arg10 : memref<128x128xf32, #tpu.memory_space<vmem>>) dst(%dma_wait3A_353 : memref<128x128xf32, #tpu.memory_space<hbm>>)
      } else {
      }
      %add3A_106 = arith.constant 3 : i32
      %add3A_107 = arith.addi %add3A_100, %add3A_106 : i32
      %lt3A_108 = arith.constant 100 : i32
      %lt3A_109 = arith.cmpi slt, %add3A_107, %lt3A_108 : i32
      %convert_element_type3A_110 = arith.extui %lt3A_109 : i1 to i32
      %cond3A_111 = arith.constant 0 : i32
      %cond3A_112 = arith.cmpi ne, %convert_element_type3A_110, %cond3A_111 : i32
      scf.if %cond3A_112 {
        %add3A_347 = arith.constant 3 : i32
        %add3A_348 = arith.addi %add3A_100, %add3A_347 : i32
        %dma_start3A_349 = arith.constant 0 : i32
        %dma_start3A_350 = tpu.memref_slice %arg2[%add3A_348, %mul3A_2, %dma_start3A_349] : memref<100x4096x128xf32, #tpu.memory_space<hbm>> -> memref<1x128x128xf32, #tpu.memory_space<hbm>>
        %dma_start3A_351 = tpu.memref_squeeze %dma_start3A_350 : memref<1x128x128xf32, #tpu.memory_space<hbm>> -> memref<128x128xf32, #tpu.memory_space<hbm>>
        %dma_start3A_352 = arith.constant 0 : i32
        %dma_start3A_353 = tpu.memref_slice %arg2[%add3A_348, %mul3A_2, %dma_start3A_352] : memref<100x4096x128xf32, #tpu.memory_space<hbm>> -> memref<1x128x128xf32, #tpu.memory_space<hbm>>
        %dma_start3A_354 = tpu.memref_squeeze %dma_start3A_353 : memref<1x128x128xf32, #tpu.memory_space<hbm>> -> memref<128x128xf32, #tpu.memory_space<hbm>>
        tpu.enqueue_dma source(%dma_start3A_354 : memref<128x128xf32, #tpu.memory_space<hbm>>) target(%arg10 : memref<128x128xf32, #tpu.memory_space<vmem>>) target_semaphore(%arg15 : memref<!tpu.dma_semaphore, #tpu.memory_space<semaphore_mem>>)
      } else {
      }
      %get3A_113 = arith.index_cast %add3A_100 : i32 to index
      %get3A_114 = arith.constant 0 : index
      %get3A_115 = tpu.vector_load %arg5[%get3A_113, %get3A_114] {strides = array<i32>} : memref<100x128xf32, #tpu.memory_space<vmem>>, vector<1x16xf32>,
      %get3A_116 = vector.shape_cast %get3A_115 : vector<1x16xf32> to vector<16xf32>
      %get3A_117 = arith.index_cast %add3A_100 : i32 to index
      %get3A_118 = arith.constant 16 : index
      %get3A_119 = tpu.vector_load %arg5[%get3A_117, %get3A_118] {strides = array<i32>} : memref<100x128xf32, #tpu.memory_space<vmem>>, vector<1x16xf32>,
      %get3A_120 = vector.shape_cast %get3A_119 : vector<1x16xf32> to vector<16xf32>
      %get3A_121 = arith.index_cast %add3A_100 : i32 to index
      %get3A_122 = arith.constant 32 : index
      %get3A_123 = tpu.vector_load %arg5[%get3A_121, %get3A_122] {strides = array<i32>} : memref<100x128xf32, #tpu.memory_space<vmem>>, vector<1x16xf32>,
      %get3A_124 = vector.shape_cast %get3A_123 : vector<1x16xf32> to vector<16xf32>
      %get3A_125 = arith.index_cast %add3A_100 : i32 to index
      %get3A_126 = arith.constant 48 : index
      %get3A_127 = tpu.vector_load %arg5[%get3A_125, %get3A_126] {strides = array<i32>} : memref<100x128xf32, #tpu.memory_space<vmem>>, vector<1x16xf32>,
      %get3A_128 = vector.shape_cast %get3A_127 : vector<1x16xf32> to vector<16xf32>
      %get3A_129 = arith.index_cast %add3A_100 : i32 to index
      %get3A_130 = arith.constant 64 : index
      %get3A_131 = tpu.vector_load %arg5[%get3A_129, %get3A_130] {strides = array<i32>} : memref<100x128xf32, #tpu.memory_space<vmem>>, vector<1x16xf32>,
      %get3A_132 = vector.shape_cast %get3A_131 : vector<1x16xf32> to vector<16xf32>
      %get3A_133 = arith.index_cast %add3A_100 : i32 to index
      %get3A_134 = arith.constant 80 : index
      %get3A_135 = tpu.vector_load %arg5[%get3A_133, %get3A_134] {strides = array<i32>} : memref<100x128xf32, #tpu.memory_space<vmem>>, vector<1x16xf32>,
      %get3A_136 = vector.shape_cast %get3A_135 : vector<1x16xf32> to vector<16xf32>
      %get3A_137 = arith.index_cast %add3A_100 : i32 to index
      %get3A_138 = arith.constant 96 : index
      %get3A_139 = tpu.vector_load %arg5[%get3A_137, %get3A_138] {strides = array<i32>} : memref<100x128xf32, #tpu.memory_space<vmem>>, vector<1x16xf32>,
      %get3A_140 = vector.shape_cast %get3A_139 : vector<1x16xf32> to vector<16xf32>
      %get3A_141 = arith.index_cast %add3A_100 : i32 to index
      %get3A_142 = arith.constant 112 : index
      %get3A_143 = tpu.vector_load %arg5[%get3A_141, %get3A_142] {strides = array<i32>} : memref<100x128xf32, #tpu.memory_space<vmem>>, vector<1x16xf32>,
      %get3A_144 = vector.shape_cast %get3A_143 : vector<1x16xf32> to vector<16xf32>
      %dma_wait3A_145 = arith.constant 0 : i32
      %dma_wait3A_146 = arith.constant 0 : i32
      %dma_wait3A_147 = tpu.memref_slice %arg2[%dma_wait3A_145, %mul3A_2, %dma_wait3A_146] : memref<100x4096x128xf32, #tpu.memory_space<hbm>> -> memref<1x128x128xf32, #tpu.memory_space<hbm>>
      %dma_wait3A_148 = tpu.memref_squeeze %dma_wait3A_147 : memref<1x128x128xf32, #tpu.memory_space<hbm>> -> memref<128x128xf32, #tpu.memory_space<hbm>>
      %dma_wait3A_149 = arith.constant 0 : i32
      %dma_wait3A_150 = tpu.memref_slice %arg2[%dma_wait3A_145, %mul3A_2, %dma_wait3A_149] : memref<100x4096x128xf32, #tpu.memory_space<hbm>> -> memref<1x128x128xf32, #tpu.memory_space<hbm>>
      %dma_wait3A_151 = tpu.memref_squeeze %dma_wait3A_150 : memref<1x128x128xf32, #tpu.memory_space<hbm>> -> memref<128x128xf32, #tpu.memory_space<hbm>>
      tpu.wait_dma2 semaphore(%arg12 : memref<!tpu.dma_semaphore, #tpu.memory_space<semaphore_mem>>) src(%dma_wait3A_151 : memref<128x128xf32, #tpu.memory_space<hbm>>) dst(%arg7 : memref<128x128xf32, #tpu.memory_space<vmem>>)
      %parallel_loop3A_152 = arith.constant 0 : i32
      %parallel_loop3A_153 = arith.constant 128 : i32
      %parallel_loop3A_154 = arith.constant 1 : i32
      scf.for %parallel_loop3A_347 = %parallel_loop3A_152 to %parallel_loop3A_153 step %parallel_loop3A_154  : i32 {
        %parallel_loop3A_348 = arith.index_cast %parallel_loop3A_347 : i32 to index
        %parallel_loop3A_349 = arith.constant 0 : index
        %parallel_loop3A_350 = tpu.vector_load %arg7[%parallel_loop3A_348, %parallel_loop3A_349] {strides = array<i32>} : memref<128x128xf32, #tpu.memory_space<vmem>>, vector<1x16xf32>,
        %parallel_loop3A_351 = vector.shape_cast %parallel_loop3A_350 : vector<1x16xf32> to vector<16xf32>
        %parallel_loop3A_352 = vector.shape_cast %get3A_116 : vector<16xf32> to vector<1x16xf32>
        tpu.vector_store %arg7[%parallel_loop3A_348, %parallel_loop3A_349], %parallel_loop3A_352 {add = true, strides = array<i32>} : memref<128x128xf32, #tpu.memory_space<vmem>>, vector<1x16xf32>,
        %parallel_loop3A_353 = arith.index_cast %parallel_loop3A_347 : i32 to index
        %parallel_loop3A_354 = arith.constant 16 : index
        %parallel_loop3A_355 = tpu.vector_load %arg7[%parallel_loop3A_353, %parallel_loop3A_354] {strides = array<i32>} : memref<128x128xf32, #tpu.memory_space<vmem>>, vector<1x16xf32>,
        %parallel_loop3A_356 = vector.shape_cast %parallel_loop3A_355 : vector<1x16xf32> to vector<16xf32>
        %parallel_loop3A_357 = vector.shape_cast %get3A_120 : vector<16xf32> to vector<1x16xf32>
        tpu.vector_store %arg7[%parallel_loop3A_353, %parallel_loop3A_354], %parallel_loop3A_357 {add = true, strides = array<i32>} : memref<128x128xf32, #tpu.memory_space<vmem>>, vector<1x16xf32>,
        %parallel_loop3A_358 = arith.index_cast %parallel_loop3A_347 : i32 to index
        %parallel_loop3A_359 = arith.constant 32 : index
        %parallel_loop3A_360 = tpu.vector_load %arg7[%parallel_loop3A_358, %parallel_loop3A_359] {strides = array<i32>} : memref<128x128xf32, #tpu.memory_space<vmem>>, vector<1x16xf32>,
        %parallel_loop3A_361 = vector.shape_cast %parallel_loop3A_360 : vector<1x16xf32> to vector<16xf32>
        %parallel_loop3A_362 = vector.shape_cast %get3A_124 : vector<16xf32> to vector<1x16xf32>
        tpu.vector_store %arg7[%parallel_loop3A_358, %parallel_loop3A_359], %parallel_loop3A_362 {add = true, strides = array<i32>} : memref<128x128xf32, #tpu.memory_space<vmem>>, vector<1x16xf32>,
        %parallel_loop3A_363 = arith.index_cast %parallel_loop3A_347 : i32 to index
        %parallel_loop3A_364 = arith.constant 48 : index
        %parallel_loop3A_365 = tpu.vector_load %arg7[%parallel_loop3A_363, %parallel_loop3A_364] {strides = array<i32>} : memref<128x128xf32, #tpu.memory_space<vmem>>, vector<1x16xf32>,
        %parallel_loop3A_366 = vector.shape_cast %parallel_loop3A_365 : vector<1x16xf32> to vector<16xf32>
        %parallel_loop3A_367 = vector.shape_cast %get3A_128 : vector<16xf32> to vector<1x16xf32>
        tpu.vector_store %arg7[%parallel_loop3A_363, %parallel_loop3A_364], %parallel_loop3A_367 {add = true, strides = array<i32>} : memref<128x128xf32, #tpu.memory_space<vmem>>, vector<1x16xf32>,
        %parallel_loop3A_368 = arith.index_cast %parallel_loop3A_347 : i32 to index
        %parallel_loop3A_369 = arith.constant 64 : index
        %parallel_loop3A_370 = tpu.vector_load %arg7[%parallel_loop3A_368, %parallel_loop3A_369] {strides = array<i32>} : memref<128x128xf32, #tpu.memory_space<vmem>>, vector<1x16xf32>,
        %parallel_loop3A_371 = vector.shape_cast %parallel_loop3A_370 : vector<1x16xf32> to vector<16xf32>
        %parallel_loop3A_372 = vector.shape_cast %get3A_132 : vector<16xf32> to vector<1x16xf32>
        tpu.vector_store %arg7[%parallel_loop3A_368, %parallel_loop3A_369], %parallel_loop3A_372 {add = true, strides = array<i32>} : memref<128x128xf32, #tpu.memory_space<vmem>>, vector<1x16xf32>,
        %parallel_loop3A_373 = arith.index_cast %parallel_loop3A_347 : i32 to index
        %parallel_loop3A_374 = arith.constant 80 : index
        %parallel_loop3A_375 = tpu.vector_load %arg7[%parallel_loop3A_373, %parallel_loop3A_374] {strides = array<i32>} : memref<128x128xf32, #tpu.memory_space<vmem>>, vector<1x16xf32>,
        %parallel_loop3A_376 = vector.shape_cast %parallel_loop3A_375 : vector<1x16xf32> to vector<16xf32>
        %parallel_loop3A_377 = vector.shape_cast %get3A_136 : vector<16xf32> to vector<1x16xf32>
        tpu.vector_store %arg7[%parallel_loop3A_373, %parallel_loop3A_374], %parallel_loop3A_377 {add = true, strides = array<i32>} : memref<128x128xf32, #tpu.memory_space<vmem>>, vector<1x16xf32>,
        %parallel_loop3A_378 = arith.index_cast %parallel_loop3A_347 : i32 to index
        %parallel_loop3A_379 = arith.constant 96 : index
        %parallel_loop3A_380 = tpu.vector_load %arg7[%parallel_loop3A_378, %parallel_loop3A_379] {strides = array<i32>} : memref<128x128xf32, #tpu.memory_space<vmem>>, vector<1x16xf32>,
        %parallel_loop3A_381 = vector.shape_cast %parallel_loop3A_380 : vector<1x16xf32> to vector<16xf32>
        %parallel_loop3A_382 = vector.shape_cast %get3A_140 : vector<16xf32> to vector<1x16xf32>
        tpu.vector_store %arg7[%parallel_loop3A_378, %parallel_loop3A_379], %parallel_loop3A_382 {add = true, strides = array<i32>} : memref<128x128xf32, #tpu.memory_space<vmem>>, vector<1x16xf32>,
        %parallel_loop3A_383 = arith.index_cast %parallel_loop3A_347 : i32 to index
        %parallel_loop3A_384 = arith.constant 112 : index
        %parallel_loop3A_385 = tpu.vector_load %arg7[%parallel_loop3A_383, %parallel_loop3A_384] {strides = array<i32>} : memref<128x128xf32, #tpu.memory_space<vmem>>, vector<1x16xf32>,
        %parallel_loop3A_386 = vector.shape_cast %parallel_loop3A_385 : vector<1x16xf32> to vector<16xf32>
        %parallel_loop3A_387 = vector.shape_cast %get3A_144 : vector<16xf32> to vector<1x16xf32>
        tpu.vector_store %arg7[%parallel_loop3A_383, %parallel_loop3A_384], %parallel_loop3A_387 {add = true, strides = array<i32>} : memref<128x128xf32, #tpu.memory_space<vmem>>, vector<1x16xf32>,
      } {sc.loop_unroll_factor = 4 : i64, sc.parallel_access}
      %dma_start3A_155 = arith.constant 0 : i32
      %dma_start3A_156 = tpu.memref_slice %arg4[%add3A_100, %mul3A_2, %dma_start3A_155] : memref<100x4096x128xf32, #tpu.memory_space<hbm>> -> memref<1x128x128xf32, #tpu.memory_space<hbm>>
      %dma_start3A_157 = tpu.memref_squeeze %dma_start3A_156 : memref<1x128x128xf32, #tpu.memory_space<hbm>> -> memref<128x128xf32, #tpu.memory_space<hbm>>
      %dma_start3A_158 = arith.constant 0 : i32
      %dma_start3A_159 = tpu.memref_slice %arg4[%add3A_100, %mul3A_2, %dma_start3A_158] : memref<100x4096x128xf32, #tpu.memory_space<hbm>> -> memref<1x128x128xf32, #tpu.memory_space<hbm>>
      %dma_start3A_160 = tpu.memref_squeeze %dma_start3A_159 : memref<1x128x128xf32, #tpu.memory_space<hbm>> -> memref<128x128xf32, #tpu.memory_space<hbm>>
      tpu.enqueue_dma source(%arg7 : memref<128x128xf32, #tpu.memory_space<vmem>>) target(%dma_start3A_160 : memref<128x128xf32, #tpu.memory_space<hbm>>) target_semaphore(%arg17 : memref<!tpu.dma_semaphore, #tpu.memory_space<semaphore_mem>>)
      %add3A_161 = arith.constant 2 : i32
      %add3A_162 = arith.addi %mul3A_42, %add3A_161 : i32
      %ge3A_163 = arith.constant 2 : i32
      %ge3A_164 = arith.cmpi sge, %add3A_162, %ge3A_163 : i32
      %convert_element_type3A_165 = arith.extui %ge3A_164 : i1 to i32
      %cond3A_166 = arith.constant 0 : i32
      %cond3A_167 = arith.cmpi ne, %convert_element_type3A_165, %cond3A_166 : i32
      scf.if %cond3A_167 {
        %dma_wait3A_347 = arith.constant 0 : i32
        %dma_wait3A_348 = arith.constant 0 : i32
        %dma_wait3A_349 = tpu.memref_slice %arg4[%dma_wait3A_347, %mul3A_2, %dma_wait3A_348] : memref<100x4096x128xf32, #tpu.memory_space<hbm>> -> memref<1x128x128xf32, #tpu.memory_space<hbm>>
        %dma_wait3A_350 = tpu.memref_squeeze %dma_wait3A_349 : memref<1x128x128xf32, #tpu.memory_space<hbm>> -> memref<128x128xf32, #tpu.memory_space<hbm>>
        %dma_wait3A_351 = arith.constant 0 : i32
        %dma_wait3A_352 = tpu.memref_slice %arg4[%dma_wait3A_347, %mul3A_2, %dma_wait3A_351] : memref<100x4096x128xf32, #tpu.memory_space<hbm>> -> memref<1x128x128xf32, #tpu.memory_space<hbm>>
        %dma_wait3A_353 = tpu.memref_squeeze %dma_wait3A_352 : memref<1x128x128xf32, #tpu.memory_space<hbm>> -> memref<128x128xf32, #tpu.memory_space<hbm>>
        tpu.wait_dma2 semaphore(%arg16 : memref<!tpu.dma_semaphore, #tpu.memory_space<semaphore_mem>>) src(%arg6 : memref<128x128xf32, #tpu.memory_space<vmem>>) dst(%dma_wait3A_353 : memref<128x128xf32, #tpu.memory_space<hbm>>)
      } else {
      }
      %add3A_168 = arith.constant 3 : i32
      %add3A_169 = arith.addi %add3A_162, %add3A_168 : i32
      %lt3A_170 = arith.constant 100 : i32
      %lt3A_171 = arith.cmpi slt, %add3A_169, %lt3A_170 : i32
      %convert_element_type3A_172 = arith.extui %lt3A_171 : i1 to i32
      %cond3A_173 = arith.constant 0 : i32
      %cond3A_174 = arith.cmpi ne, %convert_element_type3A_172, %cond3A_173 : i32
      scf.if %cond3A_174 {
        %add3A_347 = arith.constant 3 : i32
        %add3A_348 = arith.addi %add3A_162, %add3A_347 : i32
        %dma_start3A_349 = arith.constant 0 : i32
        %dma_start3A_350 = tpu.memref_slice %arg2[%add3A_348, %mul3A_2, %dma_start3A_349] : memref<100x4096x128xf32, #tpu.memory_space<hbm>> -> memref<1x128x128xf32, #tpu.memory_space<hbm>>
        %dma_start3A_351 = tpu.memref_squeeze %dma_start3A_350 : memref<1x128x128xf32, #tpu.memory_space<hbm>> -> memref<128x128xf32, #tpu.memory_space<hbm>>
        %dma_start3A_352 = arith.constant 0 : i32
        %dma_start3A_353 = tpu.memref_slice %arg2[%add3A_348, %mul3A_2, %dma_start3A_352] : memref<100x4096x128xf32, #tpu.memory_space<hbm>> -> memref<1x128x128xf32, #tpu.memory_space<hbm>>
        %dma_start3A_354 = tpu.memref_squeeze %dma_start3A_353 : memref<1x128x128xf32, #tpu.memory_space<hbm>> -> memref<128x128xf32, #tpu.memory_space<hbm>>
        tpu.enqueue_dma source(%dma_start3A_354 : memref<128x128xf32, #tpu.memory_space<hbm>>) target(%arg6 : memref<128x128xf32, #tpu.memory_space<vmem>>) target_semaphore(%arg11 : memref<!tpu.dma_semaphore, #tpu.memory_space<semaphore_mem>>)
      } else {
      }
      %get3A_175 = arith.index_cast %add3A_162 : i32 to index
      %get3A_176 = arith.constant 0 : index
      %get3A_177 = tpu.vector_load %arg5[%get3A_175, %get3A_176] {strides = array<i32>} : memref<100x128xf32, #tpu.memory_space<vmem>>, vector<1x16xf32>,
      %get3A_178 = vector.shape_cast %get3A_177 : vector<1x16xf32> to vector<16xf32>
      %get3A_179 = arith.index_cast %add3A_162 : i32 to index
      %get3A_180 = arith.constant 16 : index
      %get3A_181 = tpu.vector_load %arg5[%get3A_179, %get3A_180] {strides = array<i32>} : memref<100x128xf32, #tpu.memory_space<vmem>>, vector<1x16xf32>,
      %get3A_182 = vector.shape_cast %get3A_181 : vector<1x16xf32> to vector<16xf32>
      %get3A_183 = arith.index_cast %add3A_162 : i32 to index
      %get3A_184 = arith.constant 32 : index
      %get3A_185 = tpu.vector_load %arg5[%get3A_183, %get3A_184] {strides = array<i32>} : memref<100x128xf32, #tpu.memory_space<vmem>>, vector<1x16xf32>,
      %get3A_186 = vector.shape_cast %get3A_185 : vector<1x16xf32> to vector<16xf32>
      %get3A_187 = arith.index_cast %add3A_162 : i32 to index
      %get3A_188 = arith.constant 48 : index
      %get3A_189 = tpu.vector_load %arg5[%get3A_187, %get3A_188] {strides = array<i32>} : memref<100x128xf32, #tpu.memory_space<vmem>>, vector<1x16xf32>,
      %get3A_190 = vector.shape_cast %get3A_189 : vector<1x16xf32> to vector<16xf32>
      %get3A_191 = arith.index_cast %add3A_162 : i32 to index
      %get3A_192 = arith.constant 64 : index
      %get3A_193 = tpu.vector_load %arg5[%get3A_191, %get3A_192] {strides = array<i32>} : memref<100x128xf32, #tpu.memory_space<vmem>>, vector<1x16xf32>,
      %get3A_194 = vector.shape_cast %get3A_193 : vector<1x16xf32> to vector<16xf32>
      %get3A_195 = arith.index_cast %add3A_162 : i32 to index
      %get3A_196 = arith.constant 80 : index
      %get3A_197 = tpu.vector_load %arg5[%get3A_195, %get3A_196] {strides = array<i32>} : memref<100x128xf32, #tpu.memory_space<vmem>>, vector<1x16xf32>,
      %get3A_198 = vector.shape_cast %get3A_197 : vector<1x16xf32> to vector<16xf32>
      %get3A_199 = arith.index_cast %add3A_162 : i32 to index
      %get3A_200 = arith.constant 96 : index
      %get3A_201 = tpu.vector_load %arg5[%get3A_199, %get3A_200] {strides = array<i32>} : memref<100x128xf32, #tpu.memory_space<vmem>>, vector<1x16xf32>,
      %get3A_202 = vector.shape_cast %get3A_201 : vector<1x16xf32> to vector<16xf32>
      %get3A_203 = arith.index_cast %add3A_162 : i32 to index
      %get3A_204 = arith.constant 112 : index
      %get3A_205 = tpu.vector_load %arg5[%get3A_203, %get3A_204] {strides = array<i32>} : memref<100x128xf32, #tpu.memory_space<vmem>>, vector<1x16xf32>,
      %get3A_206 = vector.shape_cast %get3A_205 : vector<1x16xf32> to vector<16xf32>
      %dma_wait3A_207 = arith.constant 0 : i32
      %dma_wait3A_208 = arith.constant 0 : i32
      %dma_wait3A_209 = tpu.memref_slice %arg2[%dma_wait3A_207, %mul3A_2, %dma_wait3A_208] : memref<100x4096x128xf32, #tpu.memory_space<hbm>> -> memref<1x128x128xf32, #tpu.memory_space<hbm>>
      %dma_wait3A_210 = tpu.memref_squeeze %dma_wait3A_209 : memref<1x128x128xf32, #tpu.memory_space<hbm>> -> memref<128x128xf32, #tpu.memory_space<hbm>>
      %dma_wait3A_211 = arith.constant 0 : i32
      %dma_wait3A_212 = tpu.memref_slice %arg2[%dma_wait3A_207, %mul3A_2, %dma_wait3A_211] : memref<100x4096x128xf32, #tpu.memory_space<hbm>> -> memref<1x128x128xf32, #tpu.memory_space<hbm>>
      %dma_wait3A_213 = tpu.memref_squeeze %dma_wait3A_212 : memref<1x128x128xf32, #tpu.memory_space<hbm>> -> memref<128x128xf32, #tpu.memory_space<hbm>>
      tpu.wait_dma2 semaphore(%arg13 : memref<!tpu.dma_semaphore, #tpu.memory_space<semaphore_mem>>) src(%dma_wait3A_213 : memref<128x128xf32, #tpu.memory_space<hbm>>) dst(%arg8 : memref<128x128xf32, #tpu.memory_space<vmem>>)
      %parallel_loop3A_214 = arith.constant 0 : i32
      %parallel_loop3A_215 = arith.constant 128 : i32
      %parallel_loop3A_216 = arith.constant 1 : i32
      scf.for %parallel_loop3A_347 = %parallel_loop3A_214 to %parallel_loop3A_215 step %parallel_loop3A_216  : i32 {
        %parallel_loop3A_348 = arith.index_cast %parallel_loop3A_347 : i32 to index
        %parallel_loop3A_349 = arith.constant 0 : index
        %parallel_loop3A_350 = tpu.vector_load %arg8[%parallel_loop3A_348, %parallel_loop3A_349] {strides = array<i32>} : memref<128x128xf32, #tpu.memory_space<vmem>>, vector<1x16xf32>,
        %parallel_loop3A_351 = vector.shape_cast %parallel_loop3A_350 : vector<1x16xf32> to vector<16xf32>
        %parallel_loop3A_352 = vector.shape_cast %get3A_178 : vector<16xf32> to vector<1x16xf32>
        tpu.vector_store %arg8[%parallel_loop3A_348, %parallel_loop3A_349], %parallel_loop3A_352 {add = true, strides = array<i32>} : memref<128x128xf32, #tpu.memory_space<vmem>>, vector<1x16xf32>,
        %parallel_loop3A_353 = arith.index_cast %parallel_loop3A_347 : i32 to index
        %parallel_loop3A_354 = arith.constant 16 : index
        %parallel_loop3A_355 = tpu.vector_load %arg8[%parallel_loop3A_353, %parallel_loop3A_354] {strides = array<i32>} : memref<128x128xf32, #tpu.memory_space<vmem>>, vector<1x16xf32>,
        %parallel_loop3A_356 = vector.shape_cast %parallel_loop3A_355 : vector<1x16xf32> to vector<16xf32>
        %parallel_loop3A_357 = vector.shape_cast %get3A_182 : vector<16xf32> to vector<1x16xf32>
        tpu.vector_store %arg8[%parallel_loop3A_353, %parallel_loop3A_354], %parallel_loop3A_357 {add = true, strides = array<i32>} : memref<128x128xf32, #tpu.memory_space<vmem>>, vector<1x16xf32>,
        %parallel_loop3A_358 = arith.index_cast %parallel_loop3A_347 : i32 to index
        %parallel_loop3A_359 = arith.constant 32 : index
        %parallel_loop3A_360 = tpu.vector_load %arg8[%parallel_loop3A_358, %parallel_loop3A_359] {strides = array<i32>} : memref<128x128xf32, #tpu.memory_space<vmem>>, vector<1x16xf32>,
        %parallel_loop3A_361 = vector.shape_cast %parallel_loop3A_360 : vector<1x16xf32> to vector<16xf32>
        %parallel_loop3A_362 = vector.shape_cast %get3A_186 : vector<16xf32> to vector<1x16xf32>
        tpu.vector_store %arg8[%parallel_loop3A_358, %parallel_loop3A_359], %parallel_loop3A_362 {add = true, strides = array<i32>} : memref<128x128xf32, #tpu.memory_space<vmem>>, vector<1x16xf32>,
        %parallel_loop3A_363 = arith.index_cast %parallel_loop3A_347 : i32 to index
        %parallel_loop3A_364 = arith.constant 48 : index
        %parallel_loop3A_365 = tpu.vector_load %arg8[%parallel_loop3A_363, %parallel_loop3A_364] {strides = array<i32>} : memref<128x128xf32, #tpu.memory_space<vmem>>, vector<1x16xf32>,
        %parallel_loop3A_366 = vector.shape_cast %parallel_loop3A_365 : vector<1x16xf32> to vector<16xf32>
        %parallel_loop3A_367 = vector.shape_cast %get3A_190 : vector<16xf32> to vector<1x16xf32>
        tpu.vector_store %arg8[%parallel_loop3A_363, %parallel_loop3A_364], %parallel_loop3A_367 {add = true, strides = array<i32>} : memref<128x128xf32, #tpu.memory_space<vmem>>, vector<1x16xf32>,
        %parallel_loop3A_368 = arith.index_cast %parallel_loop3A_347 : i32 to index
        %parallel_loop3A_369 = arith.constant 64 : index
        %parallel_loop3A_370 = tpu.vector_load %arg8[%parallel_loop3A_368, %parallel_loop3A_369] {strides = array<i32>} : memref<128x128xf32, #tpu.memory_space<vmem>>, vector<1x16xf32>,
        %parallel_loop3A_371 = vector.shape_cast %parallel_loop3A_370 : vector<1x16xf32> to vector<16xf32>
        %parallel_loop3A_372 = vector.shape_cast %get3A_194 : vector<16xf32> to vector<1x16xf32>
        tpu.vector_store %arg8[%parallel_loop3A_368, %parallel_loop3A_369], %parallel_loop3A_372 {add = true, strides = array<i32>} : memref<128x128xf32, #tpu.memory_space<vmem>>, vector<1x16xf32>,
        %parallel_loop3A_373 = arith.index_cast %parallel_loop3A_347 : i32 to index
        %parallel_loop3A_374 = arith.constant 80 : index
        %parallel_loop3A_375 = tpu.vector_load %arg8[%parallel_loop3A_373, %parallel_loop3A_374] {strides = array<i32>} : memref<128x128xf32, #tpu.memory_space<vmem>>, vector<1x16xf32>,
        %parallel_loop3A_376 = vector.shape_cast %parallel_loop3A_375 : vector<1x16xf32> to vector<16xf32>
        %parallel_loop3A_377 = vector.shape_cast %get3A_198 : vector<16xf32> to vector<1x16xf32>
        tpu.vector_store %arg8[%parallel_loop3A_373, %parallel_loop3A_374], %parallel_loop3A_377 {add = true, strides = array<i32>} : memref<128x128xf32, #tpu.memory_space<vmem>>, vector<1x16xf32>,
        %parallel_loop3A_378 = arith.index_cast %parallel_loop3A_347 : i32 to index
        %parallel_loop3A_379 = arith.constant 96 : index
        %parallel_loop3A_380 = tpu.vector_load %arg8[%parallel_loop3A_378, %parallel_loop3A_379] {strides = array<i32>} : memref<128x128xf32, #tpu.memory_space<vmem>>, vector<1x16xf32>,
        %parallel_loop3A_381 = vector.shape_cast %parallel_loop3A_380 : vector<1x16xf32> to vector<16xf32>
        %parallel_loop3A_382 = vector.shape_cast %get3A_202 : vector<16xf32> to vector<1x16xf32>
        tpu.vector_store %arg8[%parallel_loop3A_378, %parallel_loop3A_379], %parallel_loop3A_382 {add = true, strides = array<i32>} : memref<128x128xf32, #tpu.memory_space<vmem>>, vector<1x16xf32>,
        %parallel_loop3A_383 = arith.index_cast %parallel_loop3A_347 : i32 to index
        %parallel_loop3A_384 = arith.constant 112 : index
        %parallel_loop3A_385 = tpu.vector_load %arg8[%parallel_loop3A_383, %parallel_loop3A_384] {strides = array<i32>} : memref<128x128xf32, #tpu.memory_space<vmem>>, vector<1x16xf32>,
        %parallel_loop3A_386 = vector.shape_cast %parallel_loop3A_385 : vector<1x16xf32> to vector<16xf32>
        %parallel_loop3A_387 = vector.shape_cast %get3A_206 : vector<16xf32> to vector<1x16xf32>
        tpu.vector_store %arg8[%parallel_loop3A_383, %parallel_loop3A_384], %parallel_loop3A_387 {add = true, strides = array<i32>} : memref<128x128xf32, #tpu.memory_space<vmem>>, vector<1x16xf32>,
      } {sc.loop_unroll_factor = 4 : i64, sc.parallel_access}
      %dma_start3A_217 = arith.constant 0 : i32
      %dma_start3A_218 = tpu.memref_slice %arg4[%add3A_162, %mul3A_2, %dma_start3A_217] : memref<100x4096x128xf32, #tpu.memory_space<hbm>> -> memref<1x128x128xf32, #tpu.memory_space<hbm>>
      %dma_start3A_219 = tpu.memref_squeeze %dma_start3A_218 : memref<1x128x128xf32, #tpu.memory_space<hbm>> -> memref<128x128xf32, #tpu.memory_space<hbm>>
      %dma_start3A_220 = arith.constant 0 : i32
      %dma_start3A_221 = tpu.memref_slice %arg4[%add3A_162, %mul3A_2, %dma_start3A_220] : memref<100x4096x128xf32, #tpu.memory_space<hbm>> -> memref<1x128x128xf32, #tpu.memory_space<hbm>>
      %dma_start3A_222 = tpu.memref_squeeze %dma_start3A_221 : memref<1x128x128xf32, #tpu.memory_space<hbm>> -> memref<128x128xf32, #tpu.memory_space<hbm>>
      tpu.enqueue_dma source(%arg8 : memref<128x128xf32, #tpu.memory_space<vmem>>) target(%dma_start3A_222 : memref<128x128xf32, #tpu.memory_space<hbm>>) target_semaphore(%arg18 : memref<!tpu.dma_semaphore, #tpu.memory_space<semaphore_mem>>)
      %add3A_223 = arith.constant 3 : i32
      %add3A_224 = arith.addi %mul3A_42, %add3A_223 : i32
      %ge3A_225 = arith.constant 2 : i32
      %ge3A_226 = arith.cmpi sge, %add3A_224, %ge3A_225 : i32
      %convert_element_type3A_227 = arith.extui %ge3A_226 : i1 to i32
      %cond3A_228 = arith.constant 0 : i32
      %cond3A_229 = arith.cmpi ne, %convert_element_type3A_227, %cond3A_228 : i32
      scf.if %cond3A_229 {
        %dma_wait3A_347 = arith.constant 0 : i32
        %dma_wait3A_348 = arith.constant 0 : i32
        %dma_wait3A_349 = tpu.memref_slice %arg4[%dma_wait3A_347, %mul3A_2, %dma_wait3A_348] : memref<100x4096x128xf32, #tpu.memory_space<hbm>> -> memref<1x128x128xf32, #tpu.memory_space<hbm>>
        %dma_wait3A_350 = tpu.memref_squeeze %dma_wait3A_349 : memref<1x128x128xf32, #tpu.memory_space<hbm>> -> memref<128x128xf32, #tpu.memory_space<hbm>>
        %dma_wait3A_351 = arith.constant 0 : i32
        %dma_wait3A_352 = tpu.memref_slice %arg4[%dma_wait3A_347, %mul3A_2, %dma_wait3A_351] : memref<100x4096x128xf32, #tpu.memory_space<hbm>> -> memref<1x128x128xf32, #tpu.memory_space<hbm>>
        %dma_wait3A_353 = tpu.memref_squeeze %dma_wait3A_352 : memref<1x128x128xf32, #tpu.memory_space<hbm>> -> memref<128x128xf32, #tpu.memory_space<hbm>>
        tpu.wait_dma2 semaphore(%arg17 : memref<!tpu.dma_semaphore, #tpu.memory_space<semaphore_mem>>) src(%arg7 : memref<128x128xf32, #tpu.memory_space<vmem>>) dst(%dma_wait3A_353 : memref<128x128xf32, #tpu.memory_space<hbm>>)
      } else {
      }
      %add3A_230 = arith.constant 3 : i32
      %add3A_231 = arith.addi %add3A_224, %add3A_230 : i32
      %lt3A_232 = arith.constant 100 : i32
      %lt3A_233 = arith.cmpi slt, %add3A_231, %lt3A_232 : i32
      %convert_element_type3A_234 = arith.extui %lt3A_233 : i1 to i32
      %cond3A_235 = arith.constant 0 : i32
      %cond3A_236 = arith.cmpi ne, %convert_element_type3A_234, %cond3A_235 : i32
      scf.if %cond3A_236 {
        %add3A_347 = arith.constant 3 : i32
        %add3A_348 = arith.addi %add3A_224, %add3A_347 : i32
        %dma_start3A_349 = arith.constant 0 : i32
        %dma_start3A_350 = tpu.memref_slice %arg2[%add3A_348, %mul3A_2, %dma_start3A_349] : memref<100x4096x128xf32, #tpu.memory_space<hbm>> -> memref<1x128x128xf32, #tpu.memory_space<hbm>>
        %dma_start3A_351 = tpu.memref_squeeze %dma_start3A_350 : memref<1x128x128xf32, #tpu.memory_space<hbm>> -> memref<128x128xf32, #tpu.memory_space<hbm>>
        %dma_start3A_352 = arith.constant 0 : i32
        %dma_start3A_353 = tpu.memref_slice %arg2[%add3A_348, %mul3A_2, %dma_start3A_352] : memref<100x4096x128xf32, #tpu.memory_space<hbm>> -> memref<1x128x128xf32, #tpu.memory_space<hbm>>
        %dma_start3A_354 = tpu.memref_squeeze %dma_start3A_353 : memref<1x128x128xf32, #tpu.memory_space<hbm>> -> memref<128x128xf32, #tpu.memory_space<hbm>>
        tpu.enqueue_dma source(%dma_start3A_354 : memref<128x128xf32, #tpu.memory_space<hbm>>) target(%arg7 : memref<128x128xf32, #tpu.memory_space<vmem>>) target_semaphore(%arg12 : memref<!tpu.dma_semaphore, #tpu.memory_space<semaphore_mem>>)
      } else {
      }
      %get3A_237 = arith.index_cast %add3A_224 : i32 to index
      %get3A_238 = arith.constant 0 : index
      %get3A_239 = tpu.vector_load %arg5[%get3A_237, %get3A_238] {strides = array<i32>} : memref<100x128xf32, #tpu.memory_space<vmem>>, vector<1x16xf32>,
      %get3A_240 = vector.shape_cast %get3A_239 : vector<1x16xf32> to vector<16xf32>
      %get3A_241 = arith.index_cast %add3A_224 : i32 to index
      %get3A_242 = arith.constant 16 : index
      %get3A_243 = tpu.vector_load %arg5[%get3A_241, %get3A_242] {strides = array<i32>} : memref<100x128xf32, #tpu.memory_space<vmem>>, vector<1x16xf32>,
      %get3A_244 = vector.shape_cast %get3A_243 : vector<1x16xf32> to vector<16xf32>
      %get3A_245 = arith.index_cast %add3A_224 : i32 to index
      %get3A_246 = arith.constant 32 : index
      %get3A_247 = tpu.vector_load %arg5[%get3A_245, %get3A_246] {strides = array<i32>} : memref<100x128xf32, #tpu.memory_space<vmem>>, vector<1x16xf32>,
      %get3A_248 = vector.shape_cast %get3A_247 : vector<1x16xf32> to vector<16xf32>
      %get3A_249 = arith.index_cast %add3A_224 : i32 to index
      %get3A_250 = arith.constant 48 : index
      %get3A_251 = tpu.vector_load %arg5[%get3A_249, %get3A_250] {strides = array<i32>} : memref<100x128xf32, #tpu.memory_space<vmem>>, vector<1x16xf32>,
      %get3A_252 = vector.shape_cast %get3A_251 : vector<1x16xf32> to vector<16xf32>
      %get3A_253 = arith.index_cast %add3A_224 : i32 to index
      %get3A_254 = arith.constant 64 : index
      %get3A_255 = tpu.vector_load %arg5[%get3A_253, %get3A_254] {strides = array<i32>} : memref<100x128xf32, #tpu.memory_space<vmem>>, vector<1x16xf32>,
      %get3A_256 = vector.shape_cast %get3A_255 : vector<1x16xf32> to vector<16xf32>
      %get3A_257 = arith.index_cast %add3A_224 : i32 to index
      %get3A_258 = arith.constant 80 : index
      %get3A_259 = tpu.vector_load %arg5[%get3A_257, %get3A_258] {strides = array<i32>} : memref<100x128xf32, #tpu.memory_space<vmem>>, vector<1x16xf32>,
      %get3A_260 = vector.shape_cast %get3A_259 : vector<1x16xf32> to vector<16xf32>
      %get3A_261 = arith.index_cast %add3A_224 : i32 to index
      %get3A_262 = arith.constant 96 : index
      %get3A_263 = tpu.vector_load %arg5[%get3A_261, %get3A_262] {strides = array<i32>} : memref<100x128xf32, #tpu.memory_space<vmem>>, vector<1x16xf32>,
      %get3A_264 = vector.shape_cast %get3A_263 : vector<1x16xf32> to vector<16xf32>
      %get3A_265 = arith.index_cast %add3A_224 : i32 to index
      %get3A_266 = arith.constant 112 : index
      %get3A_267 = tpu.vector_load %arg5[%get3A_265, %get3A_266] {strides = array<i32>} : memref<100x128xf32, #tpu.memory_space<vmem>>, vector<1x16xf32>,
      %get3A_268 = vector.shape_cast %get3A_267 : vector<1x16xf32> to vector<16xf32>
      %dma_wait3A_269 = arith.constant 0 : i32
      %dma_wait3A_270 = arith.constant 0 : i32
      %dma_wait3A_271 = tpu.memref_slice %arg2[%dma_wait3A_269, %mul3A_2, %dma_wait3A_270] : memref<100x4096x128xf32, #tpu.memory_space<hbm>> -> memref<1x128x128xf32, #tpu.memory_space<hbm>>
      %dma_wait3A_272 = tpu.memref_squeeze %dma_wait3A_271 : memref<1x128x128xf32, #tpu.memory_space<hbm>> -> memref<128x128xf32, #tpu.memory_space<hbm>>
      %dma_wait3A_273 = arith.constant 0 : i32
      %dma_wait3A_274 = tpu.memref_slice %arg2[%dma_wait3A_269, %mul3A_2, %dma_wait3A_273] : memref<100x4096x128xf32, #tpu.memory_space<hbm>> -> memref<1x128x128xf32, #tpu.memory_space<hbm>>
      %dma_wait3A_275 = tpu.memref_squeeze %dma_wait3A_274 : memref<1x128x128xf32, #tpu.memory_space<hbm>> -> memref<128x128xf32, #tpu.memory_space<hbm>>
      tpu.wait_dma2 semaphore(%arg14 : memref<!tpu.dma_semaphore, #tpu.memory_space<semaphore_mem>>) src(%dma_wait3A_275 : memref<128x128xf32, #tpu.memory_space<hbm>>) dst(%arg9 : memref<128x128xf32, #tpu.memory_space<vmem>>)
      %parallel_loop3A_276 = arith.constant 0 : i32
      %parallel_loop3A_277 = arith.constant 128 : i32
      %parallel_loop3A_278 = arith.constant 1 : i32
      scf.for %parallel_loop3A_347 = %parallel_loop3A_276 to %parallel_loop3A_277 step %parallel_loop3A_278  : i32 {
        %parallel_loop3A_348 = arith.index_cast %parallel_loop3A_347 : i32 to index
        %parallel_loop3A_349 = arith.constant 0 : index
        %parallel_loop3A_350 = tpu.vector_load %arg9[%parallel_loop3A_348, %parallel_loop3A_349] {strides = array<i32>} : memref<128x128xf32, #tpu.memory_space<vmem>>, vector<1x16xf32>,
        %parallel_loop3A_351 = vector.shape_cast %parallel_loop3A_350 : vector<1x16xf32> to vector<16xf32>
        %parallel_loop3A_352 = vector.shape_cast %get3A_240 : vector<16xf32> to vector<1x16xf32>
        tpu.vector_store %arg9[%parallel_loop3A_348, %parallel_loop3A_349], %parallel_loop3A_352 {add = true, strides = array<i32>} : memref<128x128xf32, #tpu.memory_space<vmem>>, vector<1x16xf32>,
        %parallel_loop3A_353 = arith.index_cast %parallel_loop3A_347 : i32 to index
        %parallel_loop3A_354 = arith.constant 16 : index
        %parallel_loop3A_355 = tpu.vector_load %arg9[%parallel_loop3A_353, %parallel_loop3A_354] {strides = array<i32>} : memref<128x128xf32, #tpu.memory_space<vmem>>, vector<1x16xf32>,
        %parallel_loop3A_356 = vector.shape_cast %parallel_loop3A_355 : vector<1x16xf32> to vector<16xf32>
        %parallel_loop3A_357 = vector.shape_cast %get3A_244 : vector<16xf32> to vector<1x16xf32>
        tpu.vector_store %arg9[%parallel_loop3A_353, %parallel_loop3A_354], %parallel_loop3A_357 {add = true, strides = array<i32>} : memref<128x128xf32, #tpu.memory_space<vmem>>, vector<1x16xf32>,
        %parallel_loop3A_358 = arith.index_cast %parallel_loop3A_347 : i32 to index
        %parallel_loop3A_359 = arith.constant 32 : index
        %parallel_loop3A_360 = tpu.vector_load %arg9[%parallel_loop3A_358, %parallel_loop3A_359] {strides = array<i32>} : memref<128x128xf32, #tpu.memory_space<vmem>>, vector<1x16xf32>,
        %parallel_loop3A_361 = vector.shape_cast %parallel_loop3A_360 : vector<1x16xf32> to vector<16xf32>
        %parallel_loop3A_362 = vector.shape_cast %get3A_248 : vector<16xf32> to vector<1x16xf32>
        tpu.vector_store %arg9[%parallel_loop3A_358, %parallel_loop3A_359], %parallel_loop3A_362 {add = true, strides = array<i32>} : memref<128x128xf32, #tpu.memory_space<vmem>>, vector<1x16xf32>,
        %parallel_loop3A_363 = arith.index_cast %parallel_loop3A_347 : i32 to index
        %parallel_loop3A_364 = arith.constant 48 : index
        %parallel_loop3A_365 = tpu.vector_load %arg9[%parallel_loop3A_363, %parallel_loop3A_364] {strides = array<i32>} : memref<128x128xf32, #tpu.memory_space<vmem>>, vector<1x16xf32>,
        %parallel_loop3A_366 = vector.shape_cast %parallel_loop3A_365 : vector<1x16xf32> to vector<16xf32>
        %parallel_loop3A_367 = vector.shape_cast %get3A_252 : vector<16xf32> to vector<1x16xf32>
        tpu.vector_store %arg9[%parallel_loop3A_363, %parallel_loop3A_364], %parallel_loop3A_367 {add = true, strides = array<i32>} : memref<128x128xf32, #tpu.memory_space<vmem>>, vector<1x16xf32>,
        %parallel_loop3A_368 = arith.index_cast %parallel_loop3A_347 : i32 to index
        %parallel_loop3A_369 = arith.constant 64 : index
        %parallel_loop3A_370 = tpu.vector_load %arg9[%parallel_loop3A_368, %parallel_loop3A_369] {strides = array<i32>} : memref<128x128xf32, #tpu.memory_space<vmem>>, vector<1x16xf32>,
        %parallel_loop3A_371 = vector.shape_cast %parallel_loop3A_370 : vector<1x16xf32> to vector<16xf32>
        %parallel_loop3A_372 = vector.shape_cast %get3A_256 : vector<16xf32> to vector<1x16xf32>
        tpu.vector_store %arg9[%parallel_loop3A_368, %parallel_loop3A_369], %parallel_loop3A_372 {add = true, strides = array<i32>} : memref<128x128xf32, #tpu.memory_space<vmem>>, vector<1x16xf32>,
        %parallel_loop3A_373 = arith.index_cast %parallel_loop3A_347 : i32 to index
        %parallel_loop3A_374 = arith.constant 80 : index
        %parallel_loop3A_375 = tpu.vector_load %arg9[%parallel_loop3A_373, %parallel_loop3A_374] {strides = array<i32>} : memref<128x128xf32, #tpu.memory_space<vmem>>, vector<1x16xf32>,
        %parallel_loop3A_376 = vector.shape_cast %parallel_loop3A_375 : vector<1x16xf32> to vector<16xf32>
        %parallel_loop3A_377 = vector.shape_cast %get3A_260 : vector<16xf32> to vector<1x16xf32>
        tpu.vector_store %arg9[%parallel_loop3A_373, %parallel_loop3A_374], %parallel_loop3A_377 {add = true, strides = array<i32>} : memref<128x128xf32, #tpu.memory_space<vmem>>, vector<1x16xf32>,
        %parallel_loop3A_378 = arith.index_cast %parallel_loop3A_347 : i32 to index
        %parallel_loop3A_379 = arith.constant 96 : index
        %parallel_loop3A_380 = tpu.vector_load %arg9[%parallel_loop3A_378, %parallel_loop3A_379] {strides = array<i32>} : memref<128x128xf32, #tpu.memory_space<vmem>>, vector<1x16xf32>,
        %parallel_loop3A_381 = vector.shape_cast %parallel_loop3A_380 : vector<1x16xf32> to vector<16xf32>
        %parallel_loop3A_382 = vector.shape_cast %get3A_264 : vector<16xf32> to vector<1x16xf32>
        tpu.vector_store %arg9[%parallel_loop3A_378, %parallel_loop3A_379], %parallel_loop3A_382 {add = true, strides = array<i32>} : memref<128x128xf32, #tpu.memory_space<vmem>>, vector<1x16xf32>,
        %parallel_loop3A_383 = arith.index_cast %parallel_loop3A_347 : i32 to index
        %parallel_loop3A_384 = arith.constant 112 : index
        %parallel_loop3A_385 = tpu.vector_load %arg9[%parallel_loop3A_383, %parallel_loop3A_384] {strides = array<i32>} : memref<128x128xf32, #tpu.memory_space<vmem>>, vector<1x16xf32>,
        %parallel_loop3A_386 = vector.shape_cast %parallel_loop3A_385 : vector<1x16xf32> to vector<16xf32>
        %parallel_loop3A_387 = vector.shape_cast %get3A_268 : vector<16xf32> to vector<1x16xf32>
        tpu.vector_store %arg9[%parallel_loop3A_383, %parallel_loop3A_384], %parallel_loop3A_387 {add = true, strides = array<i32>} : memref<128x128xf32, #tpu.memory_space<vmem>>, vector<1x16xf32>,
      } {sc.loop_unroll_factor = 4 : i64, sc.parallel_access}
      %dma_start3A_279 = arith.constant 0 : i32
      %dma_start3A_280 = tpu.memref_slice %arg4[%add3A_224, %mul3A_2, %dma_start3A_279] : memref<100x4096x128xf32, #tpu.memory_space<hbm>> -> memref<1x128x128xf32, #tpu.memory_space<hbm>>
      %dma_start3A_281 = tpu.memref_squeeze %dma_start3A_280 : memref<1x128x128xf32, #tpu.memory_space<hbm>> -> memref<128x128xf32, #tpu.memory_space<hbm>>
      %dma_start3A_282 = arith.constant 0 : i32
      %dma_start3A_283 = tpu.memref_slice %arg4[%add3A_224, %mul3A_2, %dma_start3A_282] : memref<100x4096x128xf32, #tpu.memory_space<hbm>> -> memref<1x128x128xf32, #tpu.memory_space<hbm>>
      %dma_start3A_284 = tpu.memref_squeeze %dma_start3A_283 : memref<1x128x128xf32, #tpu.memory_space<hbm>> -> memref<128x128xf32, #tpu.memory_space<hbm>>
      tpu.enqueue_dma source(%arg9 : memref<128x128xf32, #tpu.memory_space<vmem>>) target(%dma_start3A_284 : memref<128x128xf32, #tpu.memory_space<hbm>>) target_semaphore(%arg19 : memref<!tpu.dma_semaphore, #tpu.memory_space<semaphore_mem>>)
      %add3A_285 = arith.constant 4 : i32
      %add3A_286 = arith.addi %mul3A_42, %add3A_285 : i32
      %ge3A_287 = arith.constant 2 : i32
      %ge3A_288 = arith.cmpi sge, %add3A_286, %ge3A_287 : i32
      %convert_element_type3A_289 = arith.extui %ge3A_288 : i1 to i32
      %cond3A_290 = arith.constant 0 : i32
      %cond3A_291 = arith.cmpi ne, %convert_element_type3A_289, %cond3A_290 : i32
      scf.if %cond3A_291 {
        %dma_wait3A_347 = arith.constant 0 : i32
        %dma_wait3A_348 = arith.constant 0 : i32
        %dma_wait3A_349 = tpu.memref_slice %arg4[%dma_wait3A_347, %mul3A_2, %dma_wait3A_348] : memref<100x4096x128xf32, #tpu.memory_space<hbm>> -> memref<1x128x128xf32, #tpu.memory_space<hbm>>
        %dma_wait3A_350 = tpu.memref_squeeze %dma_wait3A_349 : memref<1x128x128xf32, #tpu.memory_space<hbm>> -> memref<128x128xf32, #tpu.memory_space<hbm>>
        %dma_wait3A_351 = arith.constant 0 : i32
        %dma_wait3A_352 = tpu.memref_slice %arg4[%dma_wait3A_347, %mul3A_2, %dma_wait3A_351] : memref<100x4096x128xf32, #tpu.memory_space<hbm>> -> memref<1x128x128xf32, #tpu.memory_space<hbm>>
        %dma_wait3A_353 = tpu.memref_squeeze %dma_wait3A_352 : memref<1x128x128xf32, #tpu.memory_space<hbm>> -> memref<128x128xf32, #tpu.memory_space<hbm>>
        tpu.wait_dma2 semaphore(%arg18 : memref<!tpu.dma_semaphore, #tpu.memory_space<semaphore_mem>>) src(%arg8 : memref<128x128xf32, #tpu.memory_space<vmem>>) dst(%dma_wait3A_353 : memref<128x128xf32, #tpu.memory_space<hbm>>)
      } else {
      }
      %add3A_292 = arith.constant 3 : i32
      %add3A_293 = arith.addi %add3A_286, %add3A_292 : i32
      %lt3A_294 = arith.constant 100 : i32
      %lt3A_295 = arith.cmpi slt, %add3A_293, %lt3A_294 : i32
      %convert_element_type3A_296 = arith.extui %lt3A_295 : i1 to i32
      %cond3A_297 = arith.constant 0 : i32
      %cond3A_298 = arith.cmpi ne, %convert_element_type3A_296, %cond3A_297 : i32
      scf.if %cond3A_298 {
        %add3A_347 = arith.constant 3 : i32
        %add3A_348 = arith.addi %add3A_286, %add3A_347 : i32
        %dma_start3A_349 = arith.constant 0 : i32
        %dma_start3A_350 = tpu.memref_slice %arg2[%add3A_348, %mul3A_2, %dma_start3A_349] : memref<100x4096x128xf32, #tpu.memory_space<hbm>> -> memref<1x128x128xf32, #tpu.memory_space<hbm>>
        %dma_start3A_351 = tpu.memref_squeeze %dma_start3A_350 : memref<1x128x128xf32, #tpu.memory_space<hbm>> -> memref<128x128xf32, #tpu.memory_space<hbm>>
        %dma_start3A_352 = arith.constant 0 : i32
        %dma_start3A_353 = tpu.memref_slice %arg2[%add3A_348, %mul3A_2, %dma_start3A_352] : memref<100x4096x128xf32, #tpu.memory_space<hbm>> -> memref<1x128x128xf32, #tpu.memory_space<hbm>>
        %dma_start3A_354 = tpu.memref_squeeze %dma_start3A_353 : memref<1x128x128xf32, #tpu.memory_space<hbm>> -> memref<128x128xf32, #tpu.memory_space<hbm>>
        tpu.enqueue_dma source(%dma_start3A_354 : memref<128x128xf32, #tpu.memory_space<hbm>>) target(%arg8 : memref<128x128xf32, #tpu.memory_space<vmem>>) target_semaphore(%arg13 : memref<!tpu.dma_semaphore, #tpu.memory_space<semaphore_mem>>)
      } else {
      }
      %get3A_299 = arith.index_cast %add3A_286 : i32 to index
      %get3A_300 = arith.constant 0 : index
      %get3A_301 = tpu.vector_load %arg5[%get3A_299, %get3A_300] {strides = array<i32>} : memref<100x128xf32, #tpu.memory_space<vmem>>, vector<1x16xf32>,
      %get3A_302 = vector.shape_cast %get3A_301 : vector<1x16xf32> to vector<16xf32>
      %get3A_303 = arith.index_cast %add3A_286 : i32 to index
      %get3A_304 = arith.constant 16 : index
      %get3A_305 = tpu.vector_load %arg5[%get3A_303, %get3A_304] {strides = array<i32>} : memref<100x128xf32, #tpu.memory_space<vmem>>, vector<1x16xf32>,
      %get3A_306 = vector.shape_cast %get3A_305 : vector<1x16xf32> to vector<16xf32>
      %get3A_307 = arith.index_cast %add3A_286 : i32 to index
      %get3A_308 = arith.constant 32 : index
      %get3A_309 = tpu.vector_load %arg5[%get3A_307, %get3A_308] {strides = array<i32>} : memref<100x128xf32, #tpu.memory_space<vmem>>, vector<1x16xf32>,
      %get3A_310 = vector.shape_cast %get3A_309 : vector<1x16xf32> to vector<16xf32>
      %get3A_311 = arith.index_cast %add3A_286 : i32 to index
      %get3A_312 = arith.constant 48 : index
      %get3A_313 = tpu.vector_load %arg5[%get3A_311, %get3A_312] {strides = array<i32>} : memref<100x128xf32, #tpu.memory_space<vmem>>, vector<1x16xf32>,
      %get3A_314 = vector.shape_cast %get3A_313 : vector<1x16xf32> to vector<16xf32>
      %get3A_315 = arith.index_cast %add3A_286 : i32 to index
      %get3A_316 = arith.constant 64 : index
      %get3A_317 = tpu.vector_load %arg5[%get3A_315, %get3A_316] {strides = array<i32>} : memref<100x128xf32, #tpu.memory_space<vmem>>, vector<1x16xf32>,
      %get3A_318 = vector.shape_cast %get3A_317 : vector<1x16xf32> to vector<16xf32>
      %get3A_319 = arith.index_cast %add3A_286 : i32 to index
      %get3A_320 = arith.constant 80 : index
      %get3A_321 = tpu.vector_load %arg5[%get3A_319, %get3A_320] {strides = array<i32>} : memref<100x128xf32, #tpu.memory_space<vmem>>, vector<1x16xf32>,
      %get3A_322 = vector.shape_cast %get3A_321 : vector<1x16xf32> to vector<16xf32>
      %get3A_323 = arith.index_cast %add3A_286 : i32 to index
      %get3A_324 = arith.constant 96 : index
      %get3A_325 = tpu.vector_load %arg5[%get3A_323, %get3A_324] {strides = array<i32>} : memref<100x128xf32, #tpu.memory_space<vmem>>, vector<1x16xf32>,
      %get3A_326 = vector.shape_cast %get3A_325 : vector<1x16xf32> to vector<16xf32>
      %get3A_327 = arith.index_cast %add3A_286 : i32 to index
      %get3A_328 = arith.constant 112 : index
      %get3A_329 = tpu.vector_load %arg5[%get3A_327, %get3A_328] {strides = array<i32>} : memref<100x128xf32, #tpu.memory_space<vmem>>, vector<1x16xf32>,
      %get3A_330 = vector.shape_cast %get3A_329 : vector<1x16xf32> to vector<16xf32>
      %dma_wait3A_331 = arith.constant 0 : i32
      %dma_wait3A_332 = arith.constant 0 : i32
      %dma_wait3A_333 = tpu.memref_slice %arg2[%dma_wait3A_331, %mul3A_2, %dma_wait3A_332] : memref<100x4096x128xf32, #tpu.memory_space<hbm>> -> memref<1x128x128xf32, #tpu.memory_space<hbm>>
      %dma_wait3A_334 = tpu.memref_squeeze %dma_wait3A_333 : memref<1x128x128xf32, #tpu.memory_space<hbm>> -> memref<128x128xf32, #tpu.memory_space<hbm>>
      %dma_wait3A_335 = arith.constant 0 : i32
      %dma_wait3A_336 = tpu.memref_slice %arg2[%dma_wait3A_331, %mul3A_2, %dma_wait3A_335] : memref<100x4096x128xf32, #tpu.memory_space<hbm>> -> memref<1x128x128xf32, #tpu.memory_space<hbm>>
      %dma_wait3A_337 = tpu.memref_squeeze %dma_wait3A_336 : memref<1x128x128xf32, #tpu.memory_space<hbm>> -> memref<128x128xf32, #tpu.memory_space<hbm>>
      tpu.wait_dma2 semaphore(%arg15 : memref<!tpu.dma_semaphore, #tpu.memory_space<semaphore_mem>>) src(%dma_wait3A_337 : memref<128x128xf32, #tpu.memory_space<hbm>>) dst(%arg10 : memref<128x128xf32, #tpu.memory_space<vmem>>)
      %parallel_loop3A_338 = arith.constant 0 : i32
      %parallel_loop3A_339 = arith.constant 128 : i32
      %parallel_loop3A_340 = arith.constant 1 : i32
      scf.for %parallel_loop3A_347 = %parallel_loop3A_338 to %parallel_loop3A_339 step %parallel_loop3A_340  : i32 {
        %parallel_loop3A_348 = arith.index_cast %parallel_loop3A_347 : i32 to index
        %parallel_loop3A_349 = arith.constant 0 : index
        %parallel_loop3A_350 = tpu.vector_load %arg10[%parallel_loop3A_348, %parallel_loop3A_349] {strides = array<i32>} : memref<128x128xf32, #tpu.memory_space<vmem>>, vector<1x16xf32>,
        %parallel_loop3A_351 = vector.shape_cast %parallel_loop3A_350 : vector<1x16xf32> to vector<16xf32>
        %parallel_loop3A_352 = vector.shape_cast %get3A_302 : vector<16xf32> to vector<1x16xf32>
        tpu.vector_store %arg10[%parallel_loop3A_348, %parallel_loop3A_349], %parallel_loop3A_352 {add = true, strides = array<i32>} : memref<128x128xf32, #tpu.memory_space<vmem>>, vector<1x16xf32>,
        %parallel_loop3A_353 = arith.index_cast %parallel_loop3A_347 : i32 to index
        %parallel_loop3A_354 = arith.constant 16 : index
        %parallel_loop3A_355 = tpu.vector_load %arg10[%parallel_loop3A_353, %parallel_loop3A_354] {strides = array<i32>} : memref<128x128xf32, #tpu.memory_space<vmem>>, vector<1x16xf32>,
        %parallel_loop3A_356 = vector.shape_cast %parallel_loop3A_355 : vector<1x16xf32> to vector<16xf32>
        %parallel_loop3A_357 = vector.shape_cast %get3A_306 : vector<16xf32> to vector<1x16xf32>
        tpu.vector_store %arg10[%parallel_loop3A_353, %parallel_loop3A_354], %parallel_loop3A_357 {add = true, strides = array<i32>} : memref<128x128xf32, #tpu.memory_space<vmem>>, vector<1x16xf32>,
        %parallel_loop3A_358 = arith.index_cast %parallel_loop3A_347 : i32 to index
        %parallel_loop3A_359 = arith.constant 32 : index
        %parallel_loop3A_360 = tpu.vector_load %arg10[%parallel_loop3A_358, %parallel_loop3A_359] {strides = array<i32>} : memref<128x128xf32, #tpu.memory_space<vmem>>, vector<1x16xf32>,
        %parallel_loop3A_361 = vector.shape_cast %parallel_loop3A_360 : vector<1x16xf32> to vector<16xf32>
        %parallel_loop3A_362 = vector.shape_cast %get3A_310 : vector<16xf32> to vector<1x16xf32>
        tpu.vector_store %arg10[%parallel_loop3A_358, %parallel_loop3A_359], %parallel_loop3A_362 {add = true, strides = array<i32>} : memref<128x128xf32, #tpu.memory_space<vmem>>, vector<1x16xf32>,
        %parallel_loop3A_363 = arith.index_cast %parallel_loop3A_347 : i32 to index
        %parallel_loop3A_364 = arith.constant 48 : index
        %parallel_loop3A_365 = tpu.vector_load %arg10[%parallel_loop3A_363, %parallel_loop3A_364] {strides = array<i32>} : memref<128x128xf32, #tpu.memory_space<vmem>>, vector<1x16xf32>,
        %parallel_loop3A_366 = vector.shape_cast %parallel_loop3A_365 : vector<1x16xf32> to vector<16xf32>
        %parallel_loop3A_367 = vector.shape_cast %get3A_314 : vector<16xf32> to vector<1x16xf32>
        tpu.vector_store %arg10[%parallel_loop3A_363, %parallel_loop3A_364], %parallel_loop3A_367 {add = true, strides = array<i32>} : memref<128x128xf32, #tpu.memory_space<vmem>>, vector<1x16xf32>,
        %parallel_loop3A_368 = arith.index_cast %parallel_loop3A_347 : i32 to index
        %parallel_loop3A_369 = arith.constant 64 : index
        %parallel_loop3A_370 = tpu.vector_load %arg10[%parallel_loop3A_368, %parallel_loop3A_369] {strides = array<i32>} : memref<128x128xf32, #tpu.memory_space<vmem>>, vector<1x16xf32>,
        %parallel_loop3A_371 = vector.shape_cast %parallel_loop3A_370 : vector<1x16xf32> to vector<16xf32>
        %parallel_loop3A_372 = vector.shape_cast %get3A_318 : vector<16xf32> to vector<1x16xf32>
        tpu.vector_store %arg10[%parallel_loop3A_368, %parallel_loop3A_369], %parallel_loop3A_372 {add = true, strides = array<i32>} : memref<128x128xf32, #tpu.memory_space<vmem>>, vector<1x16xf32>,
        %parallel_loop3A_373 = arith.index_cast %parallel_loop3A_347 : i32 to index
        %parallel_loop3A_374 = arith.constant 80 : index
        %parallel_loop3A_375 = tpu.vector_load %arg10[%parallel_loop3A_373, %parallel_loop3A_374] {strides = array<i32>} : memref<128x128xf32, #tpu.memory_space<vmem>>, vector<1x16xf32>,
        %parallel_loop3A_376 = vector.shape_cast %parallel_loop3A_375 : vector<1x16xf32> to vector<16xf32>
        %parallel_loop3A_377 = vector.shape_cast %get3A_322 : vector<16xf32> to vector<1x16xf32>
        tpu.vector_store %arg10[%parallel_loop3A_373, %parallel_loop3A_374], %parallel_loop3A_377 {add = true, strides = array<i32>} : memref<128x128xf32, #tpu.memory_space<vmem>>, vector<1x16xf32>,
        %parallel_loop3A_378 = arith.index_cast %parallel_loop3A_347 : i32 to index
        %parallel_loop3A_379 = arith.constant 96 : index
        %parallel_loop3A_380 = tpu.vector_load %arg10[%parallel_loop3A_378, %parallel_loop3A_379] {strides = array<i32>} : memref<128x128xf32, #tpu.memory_space<vmem>>, vector<1x16xf32>,
        %parallel_loop3A_381 = vector.shape_cast %parallel_loop3A_380 : vector<1x16xf32> to vector<16xf32>
        %parallel_loop3A_382 = vector.shape_cast %get3A_326 : vector<16xf32> to vector<1x16xf32>
        tpu.vector_store %arg10[%parallel_loop3A_378, %parallel_loop3A_379], %parallel_loop3A_382 {add = true, strides = array<i32>} : memref<128x128xf32, #tpu.memory_space<vmem>>, vector<1x16xf32>,
        %parallel_loop3A_383 = arith.index_cast %parallel_loop3A_347 : i32 to index
        %parallel_loop3A_384 = arith.constant 112 : index
        %parallel_loop3A_385 = tpu.vector_load %arg10[%parallel_loop3A_383, %parallel_loop3A_384] {strides = array<i32>} : memref<128x128xf32, #tpu.memory_space<vmem>>, vector<1x16xf32>,
        %parallel_loop3A_386 = vector.shape_cast %parallel_loop3A_385 : vector<1x16xf32> to vector<16xf32>
        %parallel_loop3A_387 = vector.shape_cast %get3A_330 : vector<16xf32> to vector<1x16xf32>
        tpu.vector_store %arg10[%parallel_loop3A_383, %parallel_loop3A_384], %parallel_loop3A_387 {add = true, strides = array<i32>} : memref<128x128xf32, #tpu.memory_space<vmem>>, vector<1x16xf32>,
      } {sc.loop_unroll_factor = 4 : i64, sc.parallel_access}
      %dma_start3A_341 = arith.constant 0 : i32
      %dma_start3A_342 = tpu.memref_slice %arg4[%add3A_286, %mul3A_2, %dma_start3A_341] : memref<100x4096x128xf32, #tpu.memory_space<hbm>> -> memref<1x128x128xf32, #tpu.memory_space<hbm>>
      %dma_start3A_343 = tpu.memref_squeeze %dma_start3A_342 : memref<1x128x128xf32, #tpu.memory_space<hbm>> -> memref<128x128xf32, #tpu.memory_space<hbm>>
      %dma_start3A_344 = arith.constant 0 : i32
      %dma_start3A_345 = tpu.memref_slice %arg4[%add3A_286, %mul3A_2, %dma_start3A_344] : memref<100x4096x128xf32, #tpu.memory_space<hbm>> -> memref<1x128x128xf32, #tpu.memory_space<hbm>>
      %dma_start3A_346 = tpu.memref_squeeze %dma_start3A_345 : memref<1x128x128xf32, #tpu.memory_space<hbm>> -> memref<128x128xf32, #tpu.memory_space<hbm>>
      tpu.enqueue_dma source(%arg10 : memref<128x128xf32, #tpu.memory_space<vmem>>) target(%dma_start3A_346 : memref<128x128xf32, #tpu.memory_space<hbm>>) target_semaphore(%arg20 : memref<!tpu.dma_semaphore, #tpu.memory_space<semaphore_mem>>)
    }
    %scan3A_26 = arith.constant 20 : i32
    %dma_wait3A = arith.constant 0 : i32
    %dma_wait3A_27 = arith.constant 0 : i32
    %dma_wait3A_28 = tpu.memref_slice %arg4[%dma_wait3A, %mul3A_2, %dma_wait3A_27] : memref<100x4096x128xf32, #tpu.memory_space<hbm>> -> memref<1x128x128xf32, #tpu.memory_space<hbm>>
    %dma_wait3A_29 = tpu.memref_squeeze %dma_wait3A_28 : memref<1x128x128xf32, #tpu.memory_space<hbm>> -> memref<128x128xf32, #tpu.memory_space<hbm>>
    %dma_wait3A_30 = arith.constant 0 : i32
    %dma_wait3A_31 = tpu.memref_slice %arg4[%dma_wait3A, %mul3A_2, %dma_wait3A_30] : memref<100x4096x128xf32, #tpu.memory_space<hbm>> -> memref<1x128x128xf32, #tpu.memory_space<hbm>>
    %dma_wait3A_32 = tpu.memref_squeeze %dma_wait3A_31 : memref<1x128x128xf32, #tpu.memory_space<hbm>> -> memref<128x128xf32, #tpu.memory_space<hbm>>
    tpu.wait_dma2 semaphore(%arg19 : memref<!tpu.dma_semaphore, #tpu.memory_space<semaphore_mem>>) src(%arg9 : memref<128x128xf32, #tpu.memory_space<vmem>>) dst(%dma_wait3A_32 : memref<128x128xf32, #tpu.memory_space<hbm>>)
    %dma_wait3A_33 = arith.constant 0 : i32
    %dma_wait3A_34 = arith.constant 0 : i32
    %dma_wait3A_35 = tpu.memref_slice %arg4[%dma_wait3A_33, %mul3A_2, %dma_wait3A_34] : memref<100x4096x128xf32, #tpu.memory_space<hbm>> -> memref<1x128x128xf32, #tpu.memory_space<hbm>>
    %dma_wait3A_36 = tpu.memref_squeeze %dma_wait3A_35 : memref<1x128x128xf32, #tpu.memory_space<hbm>> -> memref<128x128xf32, #tpu.memory_space<hbm>>
    %dma_wait3A_37 = arith.constant 0 : i32
    %dma_wait3A_38 = tpu.memref_slice %arg4[%dma_wait3A_33, %mul3A_2, %dma_wait3A_37] : memref<100x4096x128xf32, #tpu.memory_space<hbm>> -> memref<1x128x128xf32, #tpu.memory_space<hbm>>
    %dma_wait3A_39 = tpu.memref_squeeze %dma_wait3A_38 : memref<1x128x128xf32, #tpu.memory_space<hbm>> -> memref<128x128xf32, #tpu.memory_space<hbm>>
    tpu.wait_dma2 semaphore(%arg20 : memref<!tpu.dma_semaphore, #tpu.memory_space<semaphore_mem>>) src(%arg10 : memref<128x128xf32, #tpu.memory_space<vmem>>) dst(%dma_wait3A_39 : memref<128x128xf32, #tpu.memory_space<hbm>>)
    return
  }
}

</mosaic_0001>

<sc_bundles>
// kernel: kernel.3.cloned.1.call-start
scs
__scs_entry_jumppad:
0x0: {  	(pc) =	sbr.rel $0x88, $3  }
0x1: {  	(tag) =	ssettag $0x0;
	lr =	simm.s32 $0x1  }
0x2: {  	[smem:$0x3F9F] =	sst lr;
	_ =	strace $0xD0000000  }
0x3: {  	_ = 	snop  }
0x4: {  	_ = 	snop  }
0x5: {  	_ = 	snop  }
0x6: {  	_ = 	snop  }
0x7: {  	_ = 	snop  }
__scs_overlays_trampoline_lowered:
0x8: {  	[smem:$0x3FAE] =	sst s0  }
0x9: {  	[smem:$0x3FAF] =	sst s1  }
0xa: {  	[smem:$0x3FB0] =	sst s2  }
0xb: {  	[smem:$0x3FB1] =	sst s3  }
0xc: {  	[smem:$0x3FB2] =	sst s4  }
0xd: {  	[smem:$0x3FB3] =	sst s5  }
0xe: {  	[smem:$0x3FB4] =	sst s6  }
0xf: {  	[smem:$0x3FB5] =	sst s7  }
0x10: {  	[smem:$0x3FB6] =	sst s8  }
0x11: {  	[smem:$0x3FB7] =	sst s9;
	s0 =	simm.s32 @!p0 $0x0  }
0x12: {  	s1 =	sld [smem:$0x3F9D];
	s0 =	simm.s32 @p0 $0x1  }
0x13: {  	[smem:$0x3FB8] =	sst s0;
	s0 =	simm.s32 @!p1 $0x0  }
0x14: {  	s2 =	sld [smem:$0x3F9C];
	s0 =	simm.s32 @p1 $0x1  }
0x15: {  	[smem:$0x3FB9] =	sst s0;
	s0 =	simm.s32 @!p2 $0x0  }
0x16: {  	s3 =	sld [smem:$0x3FDB];
	s0 =	simm.s32 @p2 $0x1  }
0x17: {  	s4 =	simm.s32 $0x1BF5;
	[smem:$0x3FBB] =	sst s0  }
0x18: {  	s0 =	sld [smem:$0x3F9E];
	_ =	swait.ge [sflag:s4], $0x0  }
0x19: {  	s7 =	sld [smem:$0x3F9F]  }
0x1a: {  	s8 =	sadd.s32 $0xFFFFE003, lr  }
0x1b: {  	s9 =	sadd.s32 $0xFFFFFEF7, lr;
	s5 =	simm.s32 $0xFFFFFFFF;
	p2 =	slt.u32 s8, $0xFFFFF086  }
0x1c: {  	p1 =	slt.u32 s9, $0xF7A;
	s5 =	simm.s32 @!p2 $0x0  }
0x1d: {  	s5 =	simm.s32 @p1 $0x1;
	p0 =	seq.s32 s7, s2  }
0x1e: {  	s7 =	smul.u32 @!p0 $0xF7A, s2;
	p2 =	seq.s32 @!p0 s5, $0x0  }
0x1f: {  	s9 =	smul.u32 $0xF7A, s1;
	s8 =	simm.s32 @!p0 $0x1BF5;
	p2 =	por !p2, p0  }
0x20: {  	[sflag:s8] =	ssyncset.s32 @!p0 $0xFFFFF086;
	s6 =	sadd.s32 @!p0 s3, s7;
	s7 =	simm.s32 @!p0 $0x108  }
0x21: {  	s3 =	sadd.s32 s3, s9;
	s6 =	sadd.s32 @!p0 $0x88, s6;
	s7 =	simm.s32 @p2 $0x1082  }
0x22: {  	[simem:s7], [sflag:s8] =	dma.local @!p0 [hbm:s6], $0xF7A  }
0x23: {  	s9 =	sor.u32 $0xD0000000, s2;
	s6 =	simm.s32 $0x108;
	_ =	swait.ge @!p0 [sflag:s8], $0x0  }
0x24: {  	s3 =	sadd.s32 $0x88, s3;
	s6 =	simm.s32 @!p1 $0x1082;
	[sflag:s4] =	ssyncset.s32 $0xFFFFF086  }
0x25: {  	[simem:s6], [sflag:s4] =	dma.local [hbm:s3], $0xF7A  }
0x26: {  	[smem:$0x3F9F] =	sst s1;
	(tag) =	ssettag s2;
	_ =	strace s9  }
0x27: {  	s1 =	sld [smem:$0x3FAF]  }
0x28: {  	s2 =	sld [smem:$0x3FB0]  }
0x29: {  	s4 =	sld [smem:$0x3FB2]  }
0x2a: {  	p0 =	seq.s32 s5, $0x0;
	s5 =	sld [smem:$0x3FB3]  }
0x2b: {  	s6 =	sld [smem:$0x3FB4]  }
0x2c: {  	s7 =	sld [smem:$0x3FB5]  }
0x2d: {  	s3 =	simm.s32 $0x108;
	s8 =	sld [smem:$0x3FB6]  }
0x2e: {  	s3 =	simm.s32 @!p0 $0x1082;
	s9 =	sld [smem:$0x3FB7]  }
0x2f: {  	lr =	sadd.s32 s0, s3;
	s0 =	sld [smem:$0x3FAE]  }
0x30: {  	s3 =	sld [smem:$0x3FB1]  }
0x31: {  	[smem:$0x3FBA] =	sst s10  }
0x32: {  	s10 =	sld [smem:$0x3FB8];
	_ =	sdelay $0x3  }
0x33: {  	p0 =	seq.s32 s10, $0x1;
	s10 =	sld [smem:$0x3FBA];
	_ =	sdelay $0x3  }
0x34: {  	[smem:$0x3FBA] =	sst s10  }
0x35: {  	s10 =	sld [smem:$0x3FB9];
	_ =	sdelay $0x3  }
0x36: {  	p1 =	seq.s32 s10, $0x1;
	s10 =	sld [smem:$0x3FBA];
	_ =	sdelay $0x3  }
0x37: {  	[smem:$0x3FBA] =	sst s10  }
0x38: {  	s10 =	sld [smem:$0x3FBB]  }
0x39: {  	_ = 	snop;
	(pc) =	sbr.ind lr, $3  }
0x3a: {  	_ = 	snop  }
0x3b: {  	_ = 	snop  }
0x3c: {  	p2 =	seq.s32 s10, $0x1;
	s10 =	sld [smem:$0x3FBA]  }
0x3d: {  	_ =	shalt  }
0x3e: {  	_ =	shalt  }
0x3f: {  	_ =	shalt  }
0x40: {  	_ =	shalt  }
0x41: {  	_ =	shalt  }
0x42: {  	_ =	shalt  }
0x43: {  	_ =	shalt  }
0x44: {  	_ =	shalt  }
0x45: {  	_ =	shalt  }
0x46: {  	_ =	shalt  }
0x47: {  	_ =	shalt  }
0x48: {  	_ =	shalt  }
0x49: {  	_ =	shalt  }
0x4a: {  	_ =	shalt  }
0x4b: {  	_ =	shalt  }
0x4c: {  	_ =	shalt  }
0x4d: {  	_ =	shalt  }
0x4e: {  	_ =	shalt  }
0x4f: {  	_ =	shalt  }
0x50: {  	_ =	shalt  }
0x51: {  	_ =	shalt  }
0x52: {  	_ =	shalt  }
0x53: {  	_ =	shalt  }
0x54: {  	_ =	shalt  }
0x55: {  	_ =	shalt  }
0x56: {  	_ =	shalt  }
0x57: {  	_ =	shalt  }
0x58: {  	_ =	shalt  }
0x59: {  	_ =	shalt  }
0x5a: {  	_ =	shalt  }
0x5b: {  	_ =	shalt  }
0x5c: {  	_ =	shalt  }
0x5d: {  	_ =	shalt  }
0x5e: {  	_ =	shalt  }
0x5f: {  	_ =	shalt  }
0x60: {  	_ =	shalt  }
0x61: {  	_ =	shalt  }
0x62: {  	_ =	shalt  }
0x63: {  	_ =	shalt  }
0x64: {  	_ =	shalt  }
0x65: {  	_ =	shalt  }
0x66: {  	_ =	shalt  }
0x67: {  	_ =	shalt  }
0x68: {  	_ =	shalt  }
0x69: {  	_ =	shalt  }
0x6a: {  	_ =	shalt  }
0x6b: {  	_ =	shalt  }
0x6c: {  	_ =	shalt  }
0x6d: {  	_ =	shalt  }
0x6e: {  	_ =	shalt  }
0x6f: {  	_ =	shalt  }
0x70: {  	_ =	shalt  }
0x71: {  	_ =	shalt  }
0x72: {  	_ =	shalt  }
0x73: {  	_ =	shalt  }
0x74: {  	_ =	shalt  }
0x75: {  	_ =	shalt  }
0x76: {  	_ =	shalt  }
0x77: {  	_ =	shalt  }
0x78: {  	_ =	shalt  }
0x79: {  	_ =	shalt  }
0x7a: {  	_ =	shalt  }
0x7b: {  	_ =	shalt  }
0x7c: {  	_ =	shalt  }
0x7d: {  	_ =	shalt  }
0x7e: {  	_ =	shalt  }
0x7f: {  	_ =	shalt  }
0x80: {  	_ =	shalt  }
0x81: {  	_ =	shalt  }
0x82: {  	_ =	shalt  }
0x83: {  	_ =	shalt  }
0x84: {  	_ =	shalt  }
0x85: {  	_ =	shalt  }
0x86: {  	_ =	shalt  }
0x87: {  	_ =	shalt  }
.Lfunc_end0:
.L_simem_size_0:
called_computation_lowered:
.L_overlay_start_0:
0x88: {  	s2 =	sld [smem:$0x3FD9]  }
0x89: {  	s3 =	sld [smem:$0x3FFE];
	_ =	sdelay $0x1  }
0x8a: {  	s1 =	srdreg.scid  }
0x8b: {  	s0 =	sand.u32 $0x1, s1  }
0x8c: {  	s18 =	sshll.u32 s0, $0xA;
	s2 =	sadd.s32 s3, s2  }
0x8d: {  	s2 =	sadd.s32 s2, s18  }
0x8e: {  	[smem:$0x3FC6] =	sst s2  }
0x8f: {  	_ = 	snop  }
0x90: {  	s2 =	sld [smem:$0x3FC9]  }
0x91: {  	s19 =	sld [smem:$0x3FC8]  }
0x92: {  	s4 =	sld [smem:$0x3FD0];
	(tm) =	ssettm $0x1  }
0x93: {  	s5 =	sld [smem:$0x3FFB];
	_ =	sdelay $0x3  }
0x94: {  	_ =	strace s5  }
0x95: {  	s5 =	sld [smem:$0x3FFC];
	_ =	sdelay $0x3  }
0x96: {  	_ =	strace s5  }
0x97: {  	s5 =	sld [smem:$0x3FFD];
	_ =	sdelay $0x3  }
0x98: {  	_ =	strace s5  }
0x99: {  	_ =	strace $0x8FFFFFFF  }
0x9a: {  	s20 =	sld [smem:$0x3FDB];
	_ =	sdelay $0x1  }
0x9b: {  	s6 =	simm.s32 $_scs_section_size  }
0x9c: {  	s7 =	simm.s32 $_size__tile_overlayer_lowered;
	s8 =	simm.s32 $_tile_overlayer_lowered  }
0x9d: {  	s23 =	simm.s32 $0x1BFF;
	s22 =	sshll.u32 s8, $0x1;
	s5 =	sadd.s32 s6, s20  }
0x9e: {  	s9 =	simm.s32 $0x0;
	s21 =	sshll.u32 s7, $0x1;
	s7 =	sadd.s32 s22, s5  }
0x9f: {  	[timem:s9], [sflag:s23] =	dma.local [hbm:s7], s21  }
0xa0: {  	_ =	swait.ge [sflag:s23], s21  }
0xa1: {  	s6 =	ssub.s32 $0x0, s21;
	[sflag:s23] =	ssyncset.done $0x0  }
0xa2: {  	[sflag:s23] =	ssyncadd.s32 s6;
	_ =	sdelay $0x1  }
0xa3: {  	s24 =	simm.s32 $0x1B8B  }
0xa4: {  	_ =	swait.ge [sflag:s24], $0x1  }
0xa5: {  	[sflag:s24] =	ssyncset.done $0x0  }
0xa6: {  	s25 =	simm.s32 $0x1B8E;
	[sflag:s24] =	ssyncadd.s32 $0xFFFFFFFF  }
0xa7: {  	s26 =	simm.s32 $execute0_lowered;
	[smem:$0x3FD2] =	sst s25  }
0xa8: {  	s6 =	sshll.u32 s26, $0x1;
	_ =	strace $0x80000046;
	[dreg:$0x1] =	wrdreg $0xFFFFFFFF  }
0xa9: {  	s28 =	simm.s32 $_size_execute0_lowered;
	s5 =	sadd.s32 s5, s6;
	[dreg:$0x0] =	wrdreg $0x0  }
0xaa: {  	s6 =	sshll.u32 s28, $0x1;
	[dreg:$0x2] =	wrdreg s5  }
0xab: {  	[dreg:$0x3] =	wrdreg s6  }
0xac: {  	[dreg:$0x4] =	wrdreg $0xC0  }
0xad: {  	_ =	task [dreg:s9], $0x5FFFF  }
0xae: {  	[dreg:$0x1] =	wrdreg $0xFFFFFFFF  }
0xaf: {  	[dreg:$0x0] =	wrdreg $0x60  }
0xb0: {  	[dreg:$0x2] =	wrdreg s2  }
0xb1: {  	[dreg:$0x3] =	wrdreg s19  }
0xb2: {  	[dreg:$0x4] =	wrdreg s4  }
0xb3: {  	[dreg:$0x5] =	wrdreg $0x9  }
0xb4: {  	_ =	task.clear_ibuf [dreg:s9], $0x6FFFF;
	_ =	strace $0x90000046  }
0xb5: {  	s29 =	simm.s32 $0x9;
	_ =	strace $0x80000048  }
0xb6: {  	_ =	swait.ge [sflag:s29], $0x1  }
0xb7: {  	[sflag:s29] =	ssyncadd.s32 $0xFFFFFFFF  }
0xb8: {  	_ =	strace $0x90000048  }
0xb9: {  	_ =	sfence  }
0xba: {  	s30 =	sld [smem:$0x0];
	_ =	sdelay $0x2  }
0xbb: {  	s31 =	sshll.u32 s1, $0xD;
	s1 =	sshrl.u32 s1, $0x2  }
0xbc: {  	s3 =	sand.u32 $0x4000, s31;
	s1 =	sadd.s32 s1, s30  }
0xbd: {  	s0 =	sor.u32 s3, s0;
	s1 =	sshll.u32 s1, $0x11  }
0xbe: {  	s0 =	sor.u32 s1, s0  }
0xbf: {  	s0 =	sadd.s32 $0x8F2B, s0  }
0xc0: {  	[sflag:s0] =	ssyncadd.remote.s32 $0x1  }
0xc1: {  	_ =	sfence.sel $0xFFFF  }
0xc2: {  	[dreg:$0x0] =	wrdreg $0xFFFFFFFF;
	(pc) =	sbr.abs _section_cstart, $3  }
0xc3: {  	[dreg:$0x1] =	wrdreg $0xFFFFFFFF  }
0xc4: {  	_ =	task.clear_ibuf [dreg:s9], $0x2FFFF;
	_ =	strace $0x9FFFFFFF  }
0xc5: {  	(tm) =	ssettm $0x7FFFFFFF  }
tec
execute0_lowered:
.L_overlay_start_1:
0x0: {  	(tag) =	ssettag $0x1  }
0x1: {  	s1 =	rddreg [dreg:$0x0];
	s0 =	srdreg.scid  }
0x2: {  	s2 =	stileid.u32;
	s4 =	rddreg [dreg:$0x2]  }
0x3: {  	s5 =	simm.s32 $0x0;
	s15 =	simm.s32 $0x3400;
	s16 =	simm.s32 $0x7400  }
0x4: {  	s17 =	simm.s32 $0xB400;
	s18 =	simm.s32 $0xF400;
	s19 =	simm.s32 $0x1  }
0x5: {  	s20 =	simm.s32 $0x13400;
	s21 =	simm.s32 $0x2;
	s22 =	simm.s32 $0x6  }
0x6: {  	s23 =	simm.s32 $0x3;
	s24 =	simm.s32 $0x7;
	s0 =	sand.u32 $0x1, s0  }
0x7: {  	s25 =	simm.s32 $0x4;
	s2 =	sshll.u32 s2, $0xF;
	s3 =	sshll.u32 s0, $0xE  }
0x8: {  	s26 =	simm.s32 $0x8;
	s0 =	ssub.s32 $0x2, s0;
	s6 =	sor.u32 s3, s2  }
0x9: {  	s28 =	simm.s32 $0x5;
	s29 =	sshrl.u32 s0, $0x1;
	s2 =	sshrl.u32 s6, $0x3  }
0xa: {  	[smem:$0x7FF] =	sst s5;
	s0 =	ssub.s32 s0, s29;
	s2 =	sadd.s32 s1, s2  }
0xb: {  	_ =	strace $0x80000047;
	s0 =	smax.u32 s0, $0x1;
	[dreg:$0x4] =	wrdreg s2  }
0xc: {  	s31 =	simm.s32 $0x0;
	s30 =	sadd.s32 $0x10000, s2;
	[dreg:$0x7] =	wrdreg s0  }
0xd: {  	s10 =	sor.u32 $0x280000, s6;
	s2 =	sadd.s32 $0x20000, s2;
	[dreg:$0x5] =	wrdreg s30  }
0xe: {  	s11 =	sor.u32 $0x300000, s6;
	s12 =	sor.u32 $0x380000, s6;
	[dreg:$0x6] =	wrdreg s2  }
.LBB2_1:
0xf: {  	s0 =	rddreg [dreg:$0x1];
	s13 =	simm.s32 $0xB  }
0x10: {  	[tilespmem:s5], [sflag:$0xB] =	stream.linear.gather [hbm4b:s0+s5], $0x3200, $0x38;
	[tilespmem:$0x17400] =	vst v63  }
0x11: {  	_ =	swait.ge [sflag:s13], $0x3200  }
0x12: {  	[sflag:s13] =	ssyncset.done $0x0  }
0x13: {  	s14 =	rddreg [dreg:$0x4];
	[sflag:s13] =	ssyncadd.s32 $0xFFFFCE00  }
0x14: {  	[tilespmem:s15], [sflag:$0x1] =	stream.linear.gather [hbm4b:s14+s5], $0x4000, $0x38;
	[tilespmem:$0x17400] =	vst v63  }
0x15: {  	s29 =	rddreg [dreg:$0x5]  }
0x16: {  	[tilespmem:s16], [sflag:$0x2] =	stream.linear.gather [hbm4b:s29+s5], $0x4000, $0x38;
	[tilespmem:$0x17400] =	vst v63  }
0x17: {  	s2 =	simm.s32 $0x0;
	s30 =	rddreg [dreg:$0x6]  }
0x18: {  	[tilespmem:s17], [sflag:$0x3] =	stream.linear.gather [hbm4b:s30+s5], $0x4000, $0x38;
	[tilespmem:$0x17400] =	vst v63  }
.LBB2_2:
0x19: {  	s7 =	smul.u32 $0x5, s2;
	_ =	sdelay $0x1  }
0x1a: {  	p0 =	seq.s32 s2, $0x0;
	s8 =	sadd.s32 $0x3, s7  }
0x1b: {  	s3 =	simm.s32 @!p0 $0x9;
	s0 =	sshll.u32 s8, $0x13  }
0x1c: {  	s9 =	smul.u32 $0xA00, s2;
	_ =	swait.ge @!p0 [sflag:s3], $0x4000;
	s0 =	sor.u32 s6, s0  }
0x1d: {  	[sflag:s3] =	ssyncset.done @!p0 $0x0;
	s0 =	sshrl.u32 s0, $0x3  }
0x1e: {  	s30 =	sshra.s32 s9, $0x2;
	[sflag:s3] =	ssyncadd.s32 @!p0 $0xFFFFC000;
	s29 =	sadd.s32 s1, s0  }
0x1f: {  	[tilespmem:s18], [sflag:$0x4] =	stream.linear.gather [hbm4b:s29+s5], $0x4000, $0x38;
	[tilespmem:$0x17400] =	vst v63  }
0x20: {  	v1 =	vld [tilespmem:s30+$0x0]  }
0x21: {  	v0 =	vld [tilespmem:s30+$0x10]  }
0x22: {  	v2 =	vld [tilespmem:s30+$0x20]  }
0x23: {  	v3 =	vld [tilespmem:s30+$0x30]  }
0x24: {  	v4 =	vld [tilespmem:s30+$0x40]  }
0x25: {  	v5 =	vld [tilespmem:s30+$0x50]  }
0x26: {  	v7 =	vld [tilespmem:s30+$0x70]  }
0x27: {  	v6 =	vld [tilespmem:s30+$0x60];
	_ =	swait.ge [sflag:s19], $0x4000  }
0x28: {  	[sflag:s19] =	ssyncset.done $0x0  }
0x29: {  	s3 =	simm.s32 $0x3400;
	[sflag:s19] =	ssyncadd.s32 $0xFFFFC000  }
0x2a: {  	[tilespmem:s3+$0x0] =	vst.add.f32.msk $0xffff, v1  }
0x2b: {  	[tilespmem:s3+$0x1F0] =	vst.add.f32.msk $0xffff, v7  }
0x2c: {  	[tilespmem:s3+$0x1E0] =	vst.add.f32.msk $0xffff, v6  }
0x2d: {  	[tilespmem:s3+$0x1D0] =	vst.add.f32.msk $0xffff, v5  }
0x2e: {  	[tilespmem:s3+$0x1C0] =	vst.add.f32.msk $0xffff, v4  }
0x2f: {  	[tilespmem:s3+$0x1B0] =	vst.add.f32.msk $0xffff, v3  }
0x30: {  	[tilespmem:s3+$0x1A0] =	vst.add.f32.msk $0xffff, v2  }
0x31: {  	[tilespmem:s3+$0x190] =	vst.add.f32.msk $0xffff, v0  }
0x32: {  	[tilespmem:s3+$0x180] =	vst.add.f32.msk $0xffff, v1  }
0x33: {  	[tilespmem:s3+$0x170] =	vst.add.f32.msk $0xffff, v7  }
0x34: {  	[tilespmem:s3+$0x160] =	vst.add.f32.msk $0xffff, v6  }
0x35: {  	[tilespmem:s3+$0x150] =	vst.add.f32.msk $0xffff, v5  }
0x36: {  	[tilespmem:s3+$0x140] =	vst.add.f32.msk $0xffff, v4  }
0x37: {  	[tilespmem:s3+$0x130] =	vst.add.f32.msk $0xffff, v3  }
0x38: {  	[tilespmem:s3+$0x120] =	vst.add.f32.msk $0xffff, v2  }
0x39: {  	[tilespmem:s3+$0x110] =	vst.add.f32.msk $0xffff, v0  }
0x3a: {  	[tilespmem:s3+$0x100] =	vst.add.f32.msk $0xffff, v1  }
0x3b: {  	[tilespmem:s3+$0xF0] =	vst.add.f32.msk $0xffff, v7  }
0x3c: {  	[tilespmem:s3+$0xE0] =	vst.add.f32.msk $0xffff, v6  }
0x3d: {  	[tilespmem:s3+$0xD0] =	vst.add.f32.msk $0xffff, v5  }
0x3e: {  	[tilespmem:s3+$0xC0] =	vst.add.f32.msk $0xffff, v4  }
0x3f: {  	[tilespmem:s3+$0xB0] =	vst.add.f32.msk $0xffff, v3  }
0x40: {  	[tilespmem:s3+$0xA0] =	vst.add.f32.msk $0xffff, v2  }
0x41: {  	[tilespmem:s3+$0x90] =	vst.add.f32.msk $0xffff, v0  }
0x42: {  	[tilespmem:s3+$0x80] =	vst.add.f32.msk $0xffff, v1  }
0x43: {  	[tilespmem:s3+$0x70] =	vst.add.f32.msk $0xffff, v7  }
0x44: {  	[tilespmem:s3+$0x60] =	vst.add.f32.msk $0xffff, v6  }
0x45: {  	[tilespmem:s3+$0x50] =	vst.add.f32.msk $0xffff, v5  }
0x46: {  	[tilespmem:s3+$0x40] =	vst.add.f32.msk $0xffff, v4  }
0x47: {  	[tilespmem:s3+$0x30] =	vst.add.f32.msk $0xffff, v3  }
0x48: {  	s9 =	simm.s32 $0x0;
	[tilespmem:s3+$0x20] =	vst.add.f32.msk $0xffff, v2  }
.LBB2_3:
0x49: {  	s9 =	sadd.s32 $0x4, s9;
	[tilespmem:s3+$0x10] =	vst.add.f32.msk $0xffff, v0;
	s3 =	sadd.s32 $0x200, s3  }
0x4a: {  	[tilespmem:s3+$0x0] =	vst.add.f32.msk $0xffff, v1;
	p1 =	slt.u32 s9, $0x7C  }
0x4b: {  	[tilespmem:s3+$0x1F0] =	vst.add.f32.msk $0xffff, v7  }
0x4c: {  	[tilespmem:s3+$0x1E0] =	vst.add.f32.msk $0xffff, v6  }
0x4d: {  	[tilespmem:s3+$0x1D0] =	vst.add.f32.msk $0xffff, v5  }
0x4e: {  	[tilespmem:s3+$0x1C0] =	vst.add.f32.msk $0xffff, v4  }
0x4f: {  	[tilespmem:s3+$0x1B0] =	vst.add.f32.msk $0xffff, v3  }
0x50: {  	[tilespmem:s3+$0x1A0] =	vst.add.f32.msk $0xffff, v2  }
0x51: {  	[tilespmem:s3+$0x190] =	vst.add.f32.msk $0xffff, v0  }
0x52: {  	[tilespmem:s3+$0x180] =	vst.add.f32.msk $0xffff, v1  }
0x53: {  	[tilespmem:s3+$0x170] =	vst.add.f32.msk $0xffff, v7  }
0x54: {  	[tilespmem:s3+$0x160] =	vst.add.f32.msk $0xffff, v6  }
0x55: {  	[tilespmem:s3+$0x150] =	vst.add.f32.msk $0xffff, v5  }
0x56: {  	[tilespmem:s3+$0x140] =	vst.add.f32.msk $0xffff, v4  }
0x57: {  	[tilespmem:s3+$0x130] =	vst.add.f32.msk $0xffff, v3  }
0x58: {  	[tilespmem:s3+$0x120] =	vst.add.f32.msk $0xffff, v2  }
0x59: {  	[tilespmem:s3+$0x110] =	vst.add.f32.msk $0xffff, v0  }
0x5a: {  	[tilespmem:s3+$0x100] =	vst.add.f32.msk $0xffff, v1  }
0x5b: {  	[tilespmem:s3+$0xF0] =	vst.add.f32.msk $0xffff, v7  }
0x5c: {  	[tilespmem:s3+$0xE0] =	vst.add.f32.msk $0xffff, v6  }
0x5d: {  	[tilespmem:s3+$0xD0] =	vst.add.f32.msk $0xffff, v5  }
0x5e: {  	[tilespmem:s3+$0xC0] =	vst.add.f32.msk $0xffff, v4  }
0x5f: {  	[tilespmem:s3+$0xB0] =	vst.add.f32.msk $0xffff, v3  }
0x60: {  	[tilespmem:s3+$0xA0] =	vst.add.f32.msk $0xffff, v2  }
0x61: {  	[tilespmem:s3+$0x90] =	vst.add.f32.msk $0xffff, v0  }
0x62: {  	[tilespmem:s3+$0x80] =	vst.add.f32.msk $0xffff, v1  }
0x63: {  	[tilespmem:s3+$0x70] =	vst.add.f32.msk $0xffff, v7  }
.Ltmp0:
0x64: {  	[tilespmem:s3+$0x60] =	vst.add.f32.msk $0xffff, v6;
	(pc) =	sbr.rel @p1 .LBB2_3-.Ltmp0, $4  }
0x65: {  	[tilespmem:s3+$0x50] =	vst.add.f32.msk $0xffff, v5  }
0x66: {  	[tilespmem:s3+$0x40] =	vst.add.f32.msk $0xffff, v4  }
0x67: {  	[tilespmem:s3+$0x30] =	vst.add.f32.msk $0xffff, v3  }
0x68: {  	[tilespmem:s3+$0x20] =	vst.add.f32.msk $0xffff, v2  }
0x69: {  	s13 =	smul.u32 $0x280000, s2;
	_ =	sdelay $0x1  }
0x6a: {  	s9 =	sor.u32 s6, s13  }
0x6b: {  	s9 =	sshrl.u32 s9, $0x3  }
0x6c: {  	[tilespmem:s3+$0x10] =	vst.add.f32.msk $0xffff, v0;
	s9 =	sadd.s32 s4, s9  }
0x6d: {  	[hbm4b:s9+s5] =	stream.linear.scatter [tilespmem:s15], [sflag:$0x6], $0x4000, $0x38;
	[tilespmem:$0x17400] =	vst v63  }
0x6e: {  	s9 =	sadd.s32 $0x4, s7  }
0x6f: {  	s29 =	simm.s32 @!p0 $0xA;
	s14 =	sshll.u32 s9, $0x13  }
0x70: {  	_ =	swait.ge @!p0 [sflag:s29], $0x4000;
	s3 =	sor.u32 s6, s14  }
0x71: {  	[sflag:s29] =	ssyncset.done @!p0 $0x0;
	s3 =	sshrl.u32 s3, $0x3  }
0x72: {  	s14 =	sadd.s32 $0x1, s7;
	[sflag:s29] =	ssyncadd.s32 @!p0 $0xFFFFC000;
	s29 =	sadd.s32 s1, s3  }
0x73: {  	[tilespmem:s20], [sflag:$0x5] =	stream.linear.gather [hbm4b:s29+s5], $0x4000, $0x38;
	[tilespmem:$0x17400] =	vst v63  }
0x74: {  	s29 =	sshll.u32 s14, $0x7  }
0x75: {  	s29 =	sand.u32 $0x3FFFFF80, s29  }
0x76: {  	v1 =	vld [tilespmem:s29+$0x0]  }
0x77: {  	v0 =	vld [tilespmem:s29+$0x10]  }
0x78: {  	v2 =	vld [tilespmem:s29+$0x20]  }
0x79: {  	v3 =	vld [tilespmem:s29+$0x30]  }
0x7a: {  	v4 =	vld [tilespmem:s29+$0x40]  }
0x7b: {  	v5 =	vld [tilespmem:s29+$0x50]  }
0x7c: {  	v7 =	vld [tilespmem:s29+$0x70]  }
0x7d: {  	v6 =	vld [tilespmem:s29+$0x60];
	_ =	swait.ge [sflag:s21], $0x4000  }
0x7e: {  	[sflag:s21] =	ssyncset.done $0x0  }
0x7f: {  	s29 =	simm.s32 $0x7400;
	[sflag:s21] =	ssyncadd.s32 $0xFFFFC000  }
0x80: {  	[tilespmem:s29+$0x0] =	vst.add.f32.msk $0xffff, v1  }
0x81: {  	[tilespmem:s29+$0x1F0] =	vst.add.f32.msk $0xffff, v7  }
0x82: {  	[tilespmem:s29+$0x1E0] =	vst.add.f32.msk $0xffff, v6  }
0x83: {  	[tilespmem:s29+$0x1D0] =	vst.add.f32.msk $0xffff, v5  }
0x84: {  	[tilespmem:s29+$0x1C0] =	vst.add.f32.msk $0xffff, v4  }
0x85: {  	[tilespmem:s29+$0x1B0] =	vst.add.f32.msk $0xffff, v3  }
0x86: {  	[tilespmem:s29+$0x1A0] =	vst.add.f32.msk $0xffff, v2  }
0x87: {  	[tilespmem:s29+$0x190] =	vst.add.f32.msk $0xffff, v0  }
0x88: {  	[tilespmem:s29+$0x180] =	vst.add.f32.msk $0xffff, v1  }
0x89: {  	[tilespmem:s29+$0x170] =	vst.add.f32.msk $0xffff, v7  }
0x8a: {  	[tilespmem:s29+$0x160] =	vst.add.f32.msk $0xffff, v6  }
0x8b: {  	[tilespmem:s29+$0x150] =	vst.add.f32.msk $0xffff, v5  }
0x8c: {  	[tilespmem:s29+$0x140] =	vst.add.f32.msk $0xffff, v4  }
0x8d: {  	[tilespmem:s29+$0x130] =	vst.add.f32.msk $0xffff, v3  }
0x8e: {  	[tilespmem:s29+$0x120] =	vst.add.f32.msk $0xffff, v2  }
0x8f: {  	[tilespmem:s29+$0x110] =	vst.add.f32.msk $0xffff, v0  }
0x90: {  	[tilespmem:s29+$0x100] =	vst.add.f32.msk $0xffff, v1  }
0x91: {  	[tilespmem:s29+$0xF0] =	vst.add.f32.msk $0xffff, v7  }
0x92: {  	[tilespmem:s29+$0xE0] =	vst.add.f32.msk $0xffff, v6  }
0x93: {  	[tilespmem:s29+$0xD0] =	vst.add.f32.msk $0xffff, v5  }
0x94: {  	[tilespmem:s29+$0xC0] =	vst.add.f32.msk $0xffff, v4  }
0x95: {  	[tilespmem:s29+$0xB0] =	vst.add.f32.msk $0xffff, v3  }
0x96: {  	[tilespmem:s29+$0xA0] =	vst.add.f32.msk $0xffff, v2  }
0x97: {  	[tilespmem:s29+$0x90] =	vst.add.f32.msk $0xffff, v0  }
0x98: {  	[tilespmem:s29+$0x80] =	vst.add.f32.msk $0xffff, v1  }
0x99: {  	[tilespmem:s29+$0x70] =	vst.add.f32.msk $0xffff, v7  }
0x9a: {  	[tilespmem:s29+$0x60] =	vst.add.f32.msk $0xffff, v6  }
0x9b: {  	[tilespmem:s29+$0x50] =	vst.add.f32.msk $0xffff, v5  }
0x9c: {  	[tilespmem:s29+$0x40] =	vst.add.f32.msk $0xffff, v4  }
0x9d: {  	[tilespmem:s29+$0x30] =	vst.add.f32.msk $0xffff, v3  }
0x9e: {  	s30 =	simm.s32 $0x0;
	[tilespmem:s29+$0x20] =	vst.add.f32.msk $0xffff, v2  }
.LBB2_5:
0x9f: {  	s30 =	sadd.s32 $0x4, s30;
	[tilespmem:s29+$0x10] =	vst.add.f32.msk $0xffff, v0;
	s29 =	sadd.s32 $0x200, s29  }
0xa0: {  	[tilespmem:s29+$0x0] =	vst.add.f32.msk $0xffff, v1;
	p0 =	slt.u32 s30, $0x7C  }
0xa1: {  	[tilespmem:s29+$0x1F0] =	vst.add.f32.msk $0xffff, v7  }
0xa2: {  	[tilespmem:s29+$0x1E0] =	vst.add.f32.msk $0xffff, v6  }
0xa3: {  	[tilespmem:s29+$0x1D0] =	vst.add.f32.msk $0xffff, v5  }
0xa4: {  	[tilespmem:s29+$0x1C0] =	vst.add.f32.msk $0xffff, v4  }
0xa5: {  	[tilespmem:s29+$0x1B0] =	vst.add.f32.msk $0xffff, v3  }
0xa6: {  	[tilespmem:s29+$0x1A0] =	vst.add.f32.msk $0xffff, v2  }
0xa7: {  	[tilespmem:s29+$0x190] =	vst.add.f32.msk $0xffff, v0  }
0xa8: {  	[tilespmem:s29+$0x180] =	vst.add.f32.msk $0xffff, v1  }
0xa9: {  	[tilespmem:s29+$0x170] =	vst.add.f32.msk $0xffff, v7  }
0xaa: {  	[tilespmem:s29+$0x160] =	vst.add.f32.msk $0xffff, v6  }
0xab: {  	[tilespmem:s29+$0x150] =	vst.add.f32.msk $0xffff, v5  }
0xac: {  	[tilespmem:s29+$0x140] =	vst.add.f32.msk $0xffff, v4  }
0xad: {  	[tilespmem:s29+$0x130] =	vst.add.f32.msk $0xffff, v3  }
0xae: {  	[tilespmem:s29+$0x120] =	vst.add.f32.msk $0xffff, v2  }
0xaf: {  	[tilespmem:s29+$0x110] =	vst.add.f32.msk $0xffff, v0  }
0xb0: {  	[tilespmem:s29+$0x100] =	vst.add.f32.msk $0xffff, v1  }
0xb1: {  	[tilespmem:s29+$0xF0] =	vst.add.f32.msk $0xffff, v7  }
0xb2: {  	[tilespmem:s29+$0xE0] =	vst.add.f32.msk $0xffff, v6  }
0xb3: {  	[tilespmem:s29+$0xD0] =	vst.add.f32.msk $0xffff, v5  }
0xb4: {  	[tilespmem:s29+$0xC0] =	vst.add.f32.msk $0xffff, v4  }
0xb5: {  	[tilespmem:s29+$0xB0] =	vst.add.f32.msk $0xffff, v3  }
0xb6: {  	[tilespmem:s29+$0xA0] =	vst.add.f32.msk $0xffff, v2  }
0xb7: {  	[tilespmem:s29+$0x90] =	vst.add.f32.msk $0xffff, v0  }
0xb8: {  	[tilespmem:s29+$0x80] =	vst.add.f32.msk $0xffff, v1  }
0xb9: {  	[tilespmem:s29+$0x70] =	vst.add.f32.msk $0xffff, v7  }
.Ltmp1:
0xba: {  	[tilespmem:s29+$0x60] =	vst.add.f32.msk $0xffff, v6;
	(pc) =	sbr.rel @p0 .LBB2_5-.Ltmp1, $4  }
0xbb: {  	[tilespmem:s29+$0x50] =	vst.add.f32.msk $0xffff, v5  }
0xbc: {  	[tilespmem:s29+$0x40] =	vst.add.f32.msk $0xffff, v4  }
0xbd: {  	[tilespmem:s29+$0x30] =	vst.add.f32.msk $0xffff, v3  }
0xbe: {  	[tilespmem:s29+$0x20] =	vst.add.f32.msk $0xffff, v2  }
0xbf: {  	s14 =	sshll.u32 s14, $0x13  }
0xc0: {  	s14 =	sor.u32 s6, s14  }
0xc1: {  	s14 =	sshrl.u32 s14, $0x3  }
0xc2: {  	[tilespmem:s29+$0x10] =	vst.add.f32.msk $0xffff, v0;
	p0 =	seq.s32 s2, $0x13;
	s14 =	sadd.s32 s4, s14  }
0xc3: {  	[hbm4b:s14+s5] =	stream.linear.scatter [tilespmem:s16], [sflag:$0x7], $0x4000, $0x38;
	[tilespmem:$0x17400] =	vst v63  }
0xc4: {  	s7 =	sadd.s32 $0x2, s7;
	s14 =	sadd.s32 @!p0 s10, s13;
	_ =	swait.ge [sflag:s22], $0x4000  }
0xc5: {  	s29 =	simm.s32 @!p0 $0x0;
	s14 =	sshrl.u32 @!p0 s14, $0x3;
	[sflag:s22] =	ssyncset.done $0x0  }
0xc6: {  	s30 =	simm.s32 @!p0 $0x3400;
	s14 =	sadd.s32 @!p0 s1, s14;
	[sflag:s22] =	ssyncadd.s32 $0xFFFFC000  }
0xc7: {  	[tilespmem:s30], [sflag:$0x1] =	stream.linear.gather @!p0 [hbm4b:s14+s29], $0x4000, $0x38;
	[tilespmem:$0x17400] =	vst v63  }
0xc8: {  	s30 =	sshll.u32 s7, $0x7  }
0xc9: {  	s14 =	sand.u32 $0x3FFFFF80, s30  }
0xca: {  	v1 =	vld [tilespmem:s14+$0x0]  }
0xcb: {  	v0 =	vld [tilespmem:s14+$0x10]  }
0xcc: {  	v2 =	vld [tilespmem:s14+$0x20]  }
0xcd: {  	v3 =	vld [tilespmem:s14+$0x30]  }
0xce: {  	v4 =	vld [tilespmem:s14+$0x40]  }
0xcf: {  	v5 =	vld [tilespmem:s14+$0x50]  }
0xd0: {  	v7 =	vld [tilespmem:s14+$0x70]  }
0xd1: {  	v6 =	vld [tilespmem:s14+$0x60];
	_ =	swait.ge [sflag:s23], $0x4000  }
0xd2: {  	[sflag:s23] =	ssyncset.done $0x0  }
0xd3: {  	s14 =	simm.s32 $0xB400;
	[sflag:s23] =	ssyncadd.s32 $0xFFFFC000  }
0xd4: {  	[tilespmem:s14+$0x0] =	vst.add.f32.msk $0xffff, v1  }
0xd5: {  	[tilespmem:s14+$0x1F0] =	vst.add.f32.msk $0xffff, v7  }
0xd6: {  	[tilespmem:s14+$0x1E0] =	vst.add.f32.msk $0xffff, v6  }
0xd7: {  	[tilespmem:s14+$0x1D0] =	vst.add.f32.msk $0xffff, v5  }
0xd8: {  	[tilespmem:s14+$0x1C0] =	vst.add.f32.msk $0xffff, v4  }
0xd9: {  	[tilespmem:s14+$0x1B0] =	vst.add.f32.msk $0xffff, v3  }
0xda: {  	[tilespmem:s14+$0x1A0] =	vst.add.f32.msk $0xffff, v2  }
0xdb: {  	[tilespmem:s14+$0x190] =	vst.add.f32.msk $0xffff, v0  }
0xdc: {  	[tilespmem:s14+$0x180] =	vst.add.f32.msk $0xffff, v1  }
0xdd: {  	[tilespmem:s14+$0x170] =	vst.add.f32.msk $0xffff, v7  }
0xde: {  	[tilespmem:s14+$0x160] =	vst.add.f32.msk $0xffff, v6  }
0xdf: {  	[tilespmem:s14+$0x150] =	vst.add.f32.msk $0xffff, v5  }
0xe0: {  	[tilespmem:s14+$0x140] =	vst.add.f32.msk $0xffff, v4  }
0xe1: {  	[tilespmem:s14+$0x130] =	vst.add.f32.msk $0xffff, v3  }
0xe2: {  	[tilespmem:s14+$0x120] =	vst.add.f32.msk $0xffff, v2  }
0xe3: {  	[tilespmem:s14+$0x110] =	vst.add.f32.msk $0xffff, v0  }
0xe4: {  	[tilespmem:s14+$0x100] =	vst.add.f32.msk $0xffff, v1  }
0xe5: {  	[tilespmem:s14+$0xF0] =	vst.add.f32.msk $0xffff, v7  }
0xe6: {  	[tilespmem:s14+$0xE0] =	vst.add.f32.msk $0xffff, v6  }
0xe7: {  	[tilespmem:s14+$0xD0] =	vst.add.f32.msk $0xffff, v5  }
0xe8: {  	[tilespmem:s14+$0xC0] =	vst.add.f32.msk $0xffff, v4  }
0xe9: {  	[tilespmem:s14+$0xB0] =	vst.add.f32.msk $0xffff, v3  }
0xea: {  	[tilespmem:s14+$0xA0] =	vst.add.f32.msk $0xffff, v2  }
0xeb: {  	[tilespmem:s14+$0x90] =	vst.add.f32.msk $0xffff, v0  }
0xec: {  	[tilespmem:s14+$0x80] =	vst.add.f32.msk $0xffff, v1  }
0xed: {  	[tilespmem:s14+$0x70] =	vst.add.f32.msk $0xffff, v7  }
0xee: {  	[tilespmem:s14+$0x60] =	vst.add.f32.msk $0xffff, v6  }
0xef: {  	[tilespmem:s14+$0x50] =	vst.add.f32.msk $0xffff, v5  }
0xf0: {  	[tilespmem:s14+$0x40] =	vst.add.f32.msk $0xffff, v4  }
0xf1: {  	[tilespmem:s14+$0x30] =	vst.add.f32.msk $0xffff, v3  }
0xf2: {  	s29 =	simm.s32 $0x0;
	[tilespmem:s14+$0x20] =	vst.add.f32.msk $0xffff, v2  }
.LBB2_7:
0xf3: {  	s29 =	sadd.s32 $0x4, s29;
	[tilespmem:s14+$0x10] =	vst.add.f32.msk $0xffff, v0;
	s14 =	sadd.s32 $0x200, s14  }
0xf4: {  	[tilespmem:s14+$0x0] =	vst.add.f32.msk $0xffff, v1;
	p1 =	slt.u32 s29, $0x7C  }
0xf5: {  	[tilespmem:s14+$0x1F0] =	vst.add.f32.msk $0xffff, v7  }
0xf6: {  	[tilespmem:s14+$0x1E0] =	vst.add.f32.msk $0xffff, v6  }
0xf7: {  	[tilespmem:s14+$0x1D0] =	vst.add.f32.msk $0xffff, v5  }
0xf8: {  	[tilespmem:s14+$0x1C0] =	vst.add.f32.msk $0xffff, v4  }
0xf9: {  	[tilespmem:s14+$0x1B0] =	vst.add.f32.msk $0xffff, v3  }
0xfa: {  	[tilespmem:s14+$0x1A0] =	vst.add.f32.msk $0xffff, v2  }
0xfb: {  	[tilespmem:s14+$0x190] =	vst.add.f32.msk $0xffff, v0  }
0xfc: {  	[tilespmem:s14+$0x180] =	vst.add.f32.msk $0xffff, v1  }
0xfd: {  	[tilespmem:s14+$0x170] =	vst.add.f32.msk $0xffff, v7  }
0xfe: {  	[tilespmem:s14+$0x160] =	vst.add.f32.msk $0xffff, v6  }
0xff: {  	[tilespmem:s14+$0x150] =	vst.add.f32.msk $0xffff, v5  }
0x100: {  	[tilespmem:s14+$0x140] =	vst.add.f32.msk $0xffff, v4  }
0x101: {  	[tilespmem:s14+$0x130] =	vst.add.f32.msk $0xffff, v3  }
0x102: {  	[tilespmem:s14+$0x120] =	vst.add.f32.msk $0xffff, v2  }
0x103: {  	[tilespmem:s14+$0x110] =	vst.add.f32.msk $0xffff, v0  }
0x104: {  	[tilespmem:s14+$0x100] =	vst.add.f32.msk $0xffff, v1  }
0x105: {  	[tilespmem:s14+$0xF0] =	vst.add.f32.msk $0xffff, v7  }
0x106: {  	[tilespmem:s14+$0xE0] =	vst.add.f32.msk $0xffff, v6  }
0x107: {  	[tilespmem:s14+$0xD0] =	vst.add.f32.msk $0xffff, v5  }
0x108: {  	[tilespmem:s14+$0xC0] =	vst.add.f32.msk $0xffff, v4  }
0x109: {  	[tilespmem:s14+$0xB0] =	vst.add.f32.msk $0xffff, v3  }
0x10a: {  	[tilespmem:s14+$0xA0] =	vst.add.f32.msk $0xffff, v2  }
0x10b: {  	[tilespmem:s14+$0x90] =	vst.add.f32.msk $0xffff, v0  }
0x10c: {  	[tilespmem:s14+$0x80] =	vst.add.f32.msk $0xffff, v1  }
0x10d: {  	[tilespmem:s14+$0x70] =	vst.add.f32.msk $0xffff, v7  }
.Ltmp2:
0x10e: {  	[tilespmem:s14+$0x60] =	vst.add.f32.msk $0xffff, v6;
	(pc) =	sbr.rel @p1 .LBB2_7-.Ltmp2, $4  }
0x10f: {  	[tilespmem:s14+$0x50] =	vst.add.f32.msk $0xffff, v5  }
0x110: {  	[tilespmem:s14+$0x40] =	vst.add.f32.msk $0xffff, v4  }
0x111: {  	[tilespmem:s14+$0x30] =	vst.add.f32.msk $0xffff, v3  }
0x112: {  	[tilespmem:s14+$0x20] =	vst.add.f32.msk $0xffff, v2  }
0x113: {  	s7 =	sshll.u32 s7, $0x13  }
0x114: {  	s7 =	sor.u32 s6, s7  }
0x115: {  	s7 =	sshrl.u32 s7, $0x3  }
0x116: {  	[tilespmem:s14+$0x10] =	vst.add.f32.msk $0xffff, v0;
	s7 =	sadd.s32 s4, s7  }
0x117: {  	[hbm4b:s7+s5] =	stream.linear.scatter [tilespmem:s17], [sflag:$0x8], $0x4000, $0x38;
	[tilespmem:$0x17400] =	vst v63  }
0x118: {  	s14 =	simm.s32 @!p0 $0x0;
	s7 =	sadd.s32 @!p0 s11, s13;
	_ =	swait.ge [sflag:s24], $0x4000  }
0x119: {  	s29 =	simm.s32 @!p0 $0x7400;
	s7 =	sshrl.u32 @!p0 s7, $0x3;
	[sflag:s24] =	ssyncset.done $0x0  }
0x11a: {  	s30 =	sshll.u32 s8, $0x7;
	s7 =	sadd.s32 @!p0 s1, s7;
	[sflag:s24] =	ssyncadd.s32 $0xFFFFC000  }
0x11b: {  	[tilespmem:s29], [sflag:$0x2] =	stream.linear.gather @!p0 [hbm4b:s7+s14], $0x4000, $0x38;
	[tilespmem:$0x17400] =	vst v63  }
0x11c: {  	s7 =	sand.u32 $0x3FFFFF80, s30  }
0x11d: {  	v1 =	vld [tilespmem:s7+$0x0]  }
0x11e: {  	v0 =	vld [tilespmem:s7+$0x10]  }
0x11f: {  	v2 =	vld [tilespmem:s7+$0x20]  }
0x120: {  	v3 =	vld [tilespmem:s7+$0x30]  }
0x121: {  	v4 =	vld [tilespmem:s7+$0x40]  }
0x122: {  	v5 =	vld [tilespmem:s7+$0x50]  }
0x123: {  	v7 =	vld [tilespmem:s7+$0x70]  }
0x124: {  	v6 =	vld [tilespmem:s7+$0x60];
	_ =	swait.ge [sflag:s25], $0x4000  }
0x125: {  	[sflag:s25] =	ssyncset.done $0x0  }
0x126: {  	s7 =	simm.s32 $0xF400;
	[sflag:s25] =	ssyncadd.s32 $0xFFFFC000  }
0x127: {  	[tilespmem:s7+$0x0] =	vst.add.f32.msk $0xffff, v1  }
0x128: {  	[tilespmem:s7+$0x1F0] =	vst.add.f32.msk $0xffff, v7  }
0x129: {  	[tilespmem:s7+$0x1E0] =	vst.add.f32.msk $0xffff, v6  }
0x12a: {  	[tilespmem:s7+$0x1D0] =	vst.add.f32.msk $0xffff, v5  }
0x12b: {  	[tilespmem:s7+$0x1C0] =	vst.add.f32.msk $0xffff, v4  }
0x12c: {  	[tilespmem:s7+$0x1B0] =	vst.add.f32.msk $0xffff, v3  }
0x12d: {  	[tilespmem:s7+$0x1A0] =	vst.add.f32.msk $0xffff, v2  }
0x12e: {  	[tilespmem:s7+$0x190] =	vst.add.f32.msk $0xffff, v0  }
0x12f: {  	[tilespmem:s7+$0x180] =	vst.add.f32.msk $0xffff, v1  }
0x130: {  	[tilespmem:s7+$0x170] =	vst.add.f32.msk $0xffff, v7  }
0x131: {  	[tilespmem:s7+$0x160] =	vst.add.f32.msk $0xffff, v6  }
0x132: {  	[tilespmem:s7+$0x150] =	vst.add.f32.msk $0xffff, v5  }
0x133: {  	[tilespmem:s7+$0x140] =	vst.add.f32.msk $0xffff, v4  }
0x134: {  	[tilespmem:s7+$0x130] =	vst.add.f32.msk $0xffff, v3  }
0x135: {  	[tilespmem:s7+$0x120] =	vst.add.f32.msk $0xffff, v2  }
0x136: {  	[tilespmem:s7+$0x110] =	vst.add.f32.msk $0xffff, v0  }
0x137: {  	[tilespmem:s7+$0x100] =	vst.add.f32.msk $0xffff, v1  }
0x138: {  	[tilespmem:s7+$0xF0] =	vst.add.f32.msk $0xffff, v7  }
0x139: {  	[tilespmem:s7+$0xE0] =	vst.add.f32.msk $0xffff, v6  }
0x13a: {  	[tilespmem:s7+$0xD0] =	vst.add.f32.msk $0xffff, v5  }
0x13b: {  	[tilespmem:s7+$0xC0] =	vst.add.f32.msk $0xffff, v4  }
0x13c: {  	[tilespmem:s7+$0xB0] =	vst.add.f32.msk $0xffff, v3  }
0x13d: {  	[tilespmem:s7+$0xA0] =	vst.add.f32.msk $0xffff, v2  }
0x13e: {  	[tilespmem:s7+$0x90] =	vst.add.f32.msk $0xffff, v0  }
0x13f: {  	[tilespmem:s7+$0x80] =	vst.add.f32.msk $0xffff, v1  }
0x140: {  	[tilespmem:s7+$0x70] =	vst.add.f32.msk $0xffff, v7  }
0x141: {  	[tilespmem:s7+$0x60] =	vst.add.f32.msk $0xffff, v6  }
0x142: {  	[tilespmem:s7+$0x50] =	vst.add.f32.msk $0xffff, v5  }
0x143: {  	[tilespmem:s7+$0x40] =	vst.add.f32.msk $0xffff, v4  }
0x144: {  	[tilespmem:s7+$0x30] =	vst.add.f32.msk $0xffff, v3  }
0x145: {  	s8 =	simm.s32 $0x0;
	[tilespmem:s7+$0x20] =	vst.add.f32.msk $0xffff, v2  }
.LBB2_9:
0x146: {  	s8 =	sadd.s32 $0x4, s8;
	[tilespmem:s7+$0x10] =	vst.add.f32.msk $0xffff, v0;
	s7 =	sadd.s32 $0x200, s7  }
0x147: {  	[tilespmem:s7+$0x0] =	vst.add.f32.msk $0xffff, v1;
	p1 =	slt.u32 s8, $0x7C  }
0x148: {  	[tilespmem:s7+$0x1F0] =	vst.add.f32.msk $0xffff, v7  }
0x149: {  	[tilespmem:s7+$0x1E0] =	vst.add.f32.msk $0xffff, v6  }
0x14a: {  	[tilespmem:s7+$0x1D0] =	vst.add.f32.msk $0xffff, v5  }
0x14b: {  	[tilespmem:s7+$0x1C0] =	vst.add.f32.msk $0xffff, v4  }
0x14c: {  	[tilespmem:s7+$0x1B0] =	vst.add.f32.msk $0xffff, v3  }
0x14d: {  	[tilespmem:s7+$0x1A0] =	vst.add.f32.msk $0xffff, v2  }
0x14e: {  	[tilespmem:s7+$0x190] =	vst.add.f32.msk $0xffff, v0  }
0x14f: {  	[tilespmem:s7+$0x180] =	vst.add.f32.msk $0xffff, v1  }
0x150: {  	[tilespmem:s7+$0x170] =	vst.add.f32.msk $0xffff, v7  }
0x151: {  	[tilespmem:s7+$0x160] =	vst.add.f32.msk $0xffff, v6  }
0x152: {  	[tilespmem:s7+$0x150] =	vst.add.f32.msk $0xffff, v5  }
0x153: {  	[tilespmem:s7+$0x140] =	vst.add.f32.msk $0xffff, v4  }
0x154: {  	[tilespmem:s7+$0x130] =	vst.add.f32.msk $0xffff, v3  }
0x155: {  	[tilespmem:s7+$0x120] =	vst.add.f32.msk $0xffff, v2  }
0x156: {  	[tilespmem:s7+$0x110] =	vst.add.f32.msk $0xffff, v0  }
0x157: {  	[tilespmem:s7+$0x100] =	vst.add.f32.msk $0xffff, v1  }
0x158: {  	[tilespmem:s7+$0xF0] =	vst.add.f32.msk $0xffff, v7  }
0x159: {  	[tilespmem:s7+$0xE0] =	vst.add.f32.msk $0xffff, v6  }
0x15a: {  	[tilespmem:s7+$0xD0] =	vst.add.f32.msk $0xffff, v5  }
0x15b: {  	[tilespmem:s7+$0xC0] =	vst.add.f32.msk $0xffff, v4  }
0x15c: {  	[tilespmem:s7+$0xB0] =	vst.add.f32.msk $0xffff, v3  }
0x15d: {  	[tilespmem:s7+$0xA0] =	vst.add.f32.msk $0xffff, v2  }
0x15e: {  	[tilespmem:s7+$0x90] =	vst.add.f32.msk $0xffff, v0  }
0x15f: {  	[tilespmem:s7+$0x80] =	vst.add.f32.msk $0xffff, v1  }
0x160: {  	[tilespmem:s7+$0x70] =	vst.add.f32.msk $0xffff, v7  }
.Ltmp3:
0x161: {  	[tilespmem:s7+$0x60] =	vst.add.f32.msk $0xffff, v6;
	(pc) =	sbr.rel @p1 .LBB2_9-.Ltmp3, $4  }
0x162: {  	[tilespmem:s7+$0x50] =	vst.add.f32.msk $0xffff, v5  }
0x163: {  	[tilespmem:s7+$0x40] =	vst.add.f32.msk $0xffff, v4  }
0x164: {  	[tilespmem:s7+$0x30] =	vst.add.f32.msk $0xffff, v3  }
0x165: {  	[tilespmem:s7+$0x20] =	vst.add.f32.msk $0xffff, v2  }
0x166: {  	[tilespmem:s7+$0x10] =	vst.add.f32.msk $0xffff, v0;
	s0 =	sadd.s32 s4, s0  }
0x167: {  	[hbm4b:s0+s5] =	stream.linear.scatter [tilespmem:s18], [sflag:$0x9], $0x4000, $0x38;
	[tilespmem:$0x17400] =	vst v63  }
0x168: {  	s7 =	simm.s32 @!p0 $0x0;
	s0 =	sadd.s32 @!p0 s12, s13;
	_ =	swait.ge [sflag:s26], $0x4000  }
0x169: {  	s8 =	simm.s32 @!p0 $0xB400;
	s0 =	sshrl.u32 @!p0 s0, $0x3;
	[sflag:s26] =	ssyncset.done $0x0  }
0x16a: {  	s30 =	sshll.u32 s9, $0x7;
	s0 =	sadd.s32 @!p0 s1, s0;
	[sflag:s26] =	ssyncadd.s32 $0xFFFFC000  }
0x16b: {  	[tilespmem:s8], [sflag:$0x3] =	stream.linear.gather @!p0 [hbm4b:s0+s7], $0x4000, $0x38;
	[tilespmem:$0x17400] =	vst v63  }
0x16c: {  	s0 =	sand.u32 $0x3FFFFF80, s30  }
0x16d: {  	v1 =	vld [tilespmem:s0+$0x0]  }
0x16e: {  	v0 =	vld [tilespmem:s0+$0x10]  }
0x16f: {  	v2 =	vld [tilespmem:s0+$0x20]  }
0x170: {  	v3 =	vld [tilespmem:s0+$0x30]  }
0x171: {  	v4 =	vld [tilespmem:s0+$0x40]  }
0x172: {  	v5 =	vld [tilespmem:s0+$0x50]  }
0x173: {  	v7 =	vld [tilespmem:s0+$0x70]  }
0x174: {  	v6 =	vld [tilespmem:s0+$0x60];
	_ =	swait.ge [sflag:s28], $0x4000  }
0x175: {  	[sflag:s28] =	ssyncset.done $0x0  }
0x176: {  	s0 =	simm.s32 $0x13400;
	[sflag:s28] =	ssyncadd.s32 $0xFFFFC000  }
0x177: {  	[tilespmem:s0+$0x0] =	vst.add.f32.msk $0xffff, v1  }
0x178: {  	[tilespmem:s0+$0x1F0] =	vst.add.f32.msk $0xffff, v7  }
0x179: {  	[tilespmem:s0+$0x1E0] =	vst.add.f32.msk $0xffff, v6  }
0x17a: {  	[tilespmem:s0+$0x1D0] =	vst.add.f32.msk $0xffff, v5  }
0x17b: {  	[tilespmem:s0+$0x1C0] =	vst.add.f32.msk $0xffff, v4  }
0x17c: {  	[tilespmem:s0+$0x1B0] =	vst.add.f32.msk $0xffff, v3  }
0x17d: {  	[tilespmem:s0+$0x1A0] =	vst.add.f32.msk $0xffff, v2  }
0x17e: {  	[tilespmem:s0+$0x190] =	vst.add.f32.msk $0xffff, v0  }
0x17f: {  	[tilespmem:s0+$0x180] =	vst.add.f32.msk $0xffff, v1  }
0x180: {  	[tilespmem:s0+$0x170] =	vst.add.f32.msk $0xffff, v7  }
0x181: {  	[tilespmem:s0+$0x160] =	vst.add.f32.msk $0xffff, v6  }
0x182: {  	[tilespmem:s0+$0x150] =	vst.add.f32.msk $0xffff, v5  }
0x183: {  	[tilespmem:s0+$0x140] =	vst.add.f32.msk $0xffff, v4  }
0x184: {  	[tilespmem:s0+$0x130] =	vst.add.f32.msk $0xffff, v3  }
0x185: {  	[tilespmem:s0+$0x120] =	vst.add.f32.msk $0xffff, v2  }
0x186: {  	[tilespmem:s0+$0x110] =	vst.add.f32.msk $0xffff, v0  }
0x187: {  	[tilespmem:s0+$0x100] =	vst.add.f32.msk $0xffff, v1  }
0x188: {  	[tilespmem:s0+$0xF0] =	vst.add.f32.msk $0xffff, v7  }
0x189: {  	[tilespmem:s0+$0xE0] =	vst.add.f32.msk $0xffff, v6  }
0x18a: {  	[tilespmem:s0+$0xD0] =	vst.add.f32.msk $0xffff, v5  }
0x18b: {  	[tilespmem:s0+$0xC0] =	vst.add.f32.msk $0xffff, v4  }
0x18c: {  	[tilespmem:s0+$0xB0] =	vst.add.f32.msk $0xffff, v3  }
0x18d: {  	[tilespmem:s0+$0xA0] =	vst.add.f32.msk $0xffff, v2  }
0x18e: {  	[tilespmem:s0+$0x90] =	vst.add.f32.msk $0xffff, v0  }
0x18f: {  	[tilespmem:s0+$0x80] =	vst.add.f32.msk $0xffff, v1  }
0x190: {  	[tilespmem:s0+$0x70] =	vst.add.f32.msk $0xffff, v7  }
0x191: {  	[tilespmem:s0+$0x60] =	vst.add.f32.msk $0xffff, v6  }
0x192: {  	[tilespmem:s0+$0x50] =	vst.add.f32.msk $0xffff, v5  }
0x193: {  	[tilespmem:s0+$0x40] =	vst.add.f32.msk $0xffff, v4  }
0x194: {  	[tilespmem:s0+$0x30] =	vst.add.f32.msk $0xffff, v3  }
0x195: {  	s7 =	simm.s32 $0x0;
	[tilespmem:s0+$0x20] =	vst.add.f32.msk $0xffff, v2  }
.LBB2_11:
0x196: {  	s7 =	sadd.s32 $0x4, s7;
	[tilespmem:s0+$0x10] =	vst.add.f32.msk $0xffff, v0;
	s0 =	sadd.s32 $0x200, s0  }
0x197: {  	[tilespmem:s0+$0x0] =	vst.add.f32.msk $0xffff, v1;
	p0 =	slt.u32 s7, $0x7C  }
0x198: {  	[tilespmem:s0+$0x1F0] =	vst.add.f32.msk $0xffff, v7  }
0x199: {  	[tilespmem:s0+$0x1E0] =	vst.add.f32.msk $0xffff, v6  }
0x19a: {  	[tilespmem:s0+$0x1D0] =	vst.add.f32.msk $0xffff, v5  }
0x19b: {  	[tilespmem:s0+$0x1C0] =	vst.add.f32.msk $0xffff, v4  }
0x19c: {  	[tilespmem:s0+$0x1B0] =	vst.add.f32.msk $0xffff, v3  }
0x19d: {  	[tilespmem:s0+$0x1A0] =	vst.add.f32.msk $0xffff, v2  }
0x19e: {  	[tilespmem:s0+$0x190] =	vst.add.f32.msk $0xffff, v0  }
0x19f: {  	[tilespmem:s0+$0x180] =	vst.add.f32.msk $0xffff, v1  }
0x1a0: {  	[tilespmem:s0+$0x170] =	vst.add.f32.msk $0xffff, v7  }
0x1a1: {  	[tilespmem:s0+$0x160] =	vst.add.f32.msk $0xffff, v6  }
0x1a2: {  	[tilespmem:s0+$0x150] =	vst.add.f32.msk $0xffff, v5  }
0x1a3: {  	[tilespmem:s0+$0x140] =	vst.add.f32.msk $0xffff, v4  }
0x1a4: {  	[tilespmem:s0+$0x130] =	vst.add.f32.msk $0xffff, v3  }
0x1a5: {  	[tilespmem:s0+$0x120] =	vst.add.f32.msk $0xffff, v2  }
0x1a6: {  	[tilespmem:s0+$0x110] =	vst.add.f32.msk $0xffff, v0  }
0x1a7: {  	[tilespmem:s0+$0x100] =	vst.add.f32.msk $0xffff, v1  }
0x1a8: {  	[tilespmem:s0+$0xF0] =	vst.add.f32.msk $0xffff, v7  }
0x1a9: {  	[tilespmem:s0+$0xE0] =	vst.add.f32.msk $0xffff, v6  }
0x1aa: {  	[tilespmem:s0+$0xD0] =	vst.add.f32.msk $0xffff, v5  }
0x1ab: {  	[tilespmem:s0+$0xC0] =	vst.add.f32.msk $0xffff, v4  }
0x1ac: {  	[tilespmem:s0+$0xB0] =	vst.add.f32.msk $0xffff, v3  }
0x1ad: {  	[tilespmem:s0+$0xA0] =	vst.add.f32.msk $0xffff, v2  }
0x1ae: {  	[tilespmem:s0+$0x90] =	vst.add.f32.msk $0xffff, v0  }
0x1af: {  	[tilespmem:s0+$0x80] =	vst.add.f32.msk $0xffff, v1  }
0x1b0: {  	[tilespmem:s0+$0x70] =	vst.add.f32.msk $0xffff, v7  }
.Ltmp4:
0x1b1: {  	[tilespmem:s0+$0x60] =	vst.add.f32.msk $0xffff, v6;
	(pc) =	sbr.rel @p0 .LBB2_11-.Ltmp4, $4  }
0x1b2: {  	[tilespmem:s0+$0x50] =	vst.add.f32.msk $0xffff, v5  }
0x1b3: {  	[tilespmem:s0+$0x40] =	vst.add.f32.msk $0xffff, v4  }
0x1b4: {  	[tilespmem:s0+$0x30] =	vst.add.f32.msk $0xffff, v3  }
0x1b5: {  	[tilespmem:s0+$0x20] =	vst.add.f32.msk $0xffff, v2  }
0x1b6: {  	s2 =	sadd.s32 $0x1, s2  }
0x1b7: {  	p0 =	sne.s32 s2, $0x14  }
.Ltmp5:
0x1b8: {  	_ = 	snop;
	(pc) =	sbr.rel @p0 .LBB2_2-.Ltmp5, $3  }
0x1b9: {  	_ =	sdelay $0x1  }
0x1ba: {  	[tilespmem:s0+$0x10] =	vst.add.f32.msk $0xffff, v0;
	s30 =	sadd.s32 s4, s3  }
0x1bb: {  	[hbm4b:s30+s5] =	stream.linear.scatter [tilespmem:s20], [sflag:$0xA], $0x4000, $0x38;
	[tilespmem:$0x17400] =	vst v63  }
0x1bc: {  	s0 =	simm.s32 $0x9  }
0x1bd: {  	_ =	swait.ge [sflag:s0], $0x4000  }
0x1be: {  	[sflag:s0] =	ssyncset.done $0x0  }
0x1bf: {  	s2 =	simm.s32 $0xA;
	[sflag:s0] =	ssyncadd.s32 $0xFFFFC000  }
0x1c0: {  	_ =	swait.ge [sflag:s2], $0x4000  }
0x1c1: {  	s31 =	sadd.s32 $0x1, s31;
	s30 =	rddreg [dreg:$0x7]  }
0x1c2: {  	p0 =	sne.s32 s31, s30  }
.Ltmp6:
0x1c3: {  	_ = 	snop;
	(pc) =	sbr.rel @p0 .LBB2_1-.Ltmp6, $3  }
0x1c4: {  	_ =	sdelay $0x1  }
0x1c5: {  	[sflag:s2] =	ssyncset.done $0x0  }
0x1c6: {  	[sflag:s2] =	ssyncadd.s32 $0xFFFFC000  }
0x1c7: {  	_ =	sfence.sel $0x180000  }
0x1c8: {  	[bflag:$0x0] =	sbarrier.arrive $0xFFFF  }
0x1c9: {  	_ =	strace $0x90000047  }
0x1ca: {  	s0 =	stileid.u32;
	[bflag:$0x2] =	sbarrier.arrive $0xFFFF  }
0x1cb: {  	p0 =	sne.s32 s0, $0x0;
	s0 =	rddreg [dreg:$0x3]  }
0x1cc: {  	s0 =	sadd.s32 @!p0 $0x100000, s0  }
0x1cd: {  	[sflag:s0] =	ssyncadd.tile.s32 @!p0 $0x1;
	_ =	shalt  }
.Lfunc_end2:
_tile_overlayer_lowered:
.L_overlay_start_2:
0x1ce: {  	(tag) =	ssettag $0x2  }
0x1cf: {  	s0 =	rddreg [dreg:$0x0];
	s2 =	stileid.u32  }
0x1d0: {  	s1 =	rddreg [dreg:$0x1];
	p0 =	sne.s32 s2, $0x0  }
0x1d1: {  	s3 =	rddreg [dreg:$0x2];
	[bflag:$0x3] =	sbarrier.arrive $0xFFFF;
	s2 =	simm.s32 @!p0 $0x1C0B  }
0x1d2: {  	[timem:s3], [sflag:s2] =	dma.local @!p0 [hbm:s0], s1  }
0x1d3: {  	s0 =	simm.s32 @!p0 $0xB  }
0x1d4: {  	_ =	swait.ge @!p0 [sflag:s0], s1  }
0x1d5: {  	s1 =	ssub.s32 @!p0 $0x0, s1;
	[sflag:s0] =	ssyncset.done @!p0 $0x0  }
0x1d6: {  	[sflag:s0] =	ssyncadd.s32 @!p0 s1  }
0x1d7: {  	[bflag:$0x3] =	sbarrier.arrive $0xFFFF  }
0x1d8: {  	_ =	shalt  }

</sc_bundles>
